<compile_context>
chip_gen: v7x
topology: tpu7x:2x2x1
jax: 0.10.2.dev20260603
libtpu: 0.0.44.dev20260713+nightly
codegen_flags: <defaults>
</compile_context>

<pallas_src>
import functools

import jax
import jax.numpy as jnp
from jax import lax
from jax.experimental import pallas as pl
from jax.experimental.pallas import tpu as pltpu
from jax.experimental.pallas import tpu_sc as plsc

_EPS = 1e-05
_NC = 2
_NS = 16
_LANES = 16


def _unroll_factor(n, cap=16):
    for u in range(cap, 0, -1):
        if n % u == 0:
            return u
    return 1


def _make_histogram(n_workers, chunk, n_pad):
    stripe = n_pad // _NS
    lo = int(chunk * 0.525) // (8 * _LANES) * (8 * _LANES)
    hi = chunk - lo
    ones_n = -(-hi // (_LANES * _LANES)) * (_LANES * _LANES)
    rows_lo = lo // _LANES
    u_hist = _unroll_factor(rows_lo)
    u_zero = _unroll_factor(n_pad // _LANES)
    u_ones = _unroll_factor(ones_n // _LANES)
    u_zs = _unroll_factor(stripe // _LANES)
    mesh = plsc.VectorSubcoreMesh(core_axis_name="c", subcore_axis_name="s")

    @functools.partial(
        pl.kernel,
        out_type=(
            jax.ShapeDtypeStruct((_NC, 1, n_pad), jnp.float32),
            jax.ShapeDtypeStruct((n_workers, 1, n_pad), jnp.float32),
        ),
        mesh=mesh,
        scratch_types=[
            pltpu.VMEM((lo,), jnp.int32),
            pltpu.VMEM((hi,), jnp.int32),
            pltpu.VMEM((ones_n,), jnp.float32),
            pltpu.VMEM((stripe,), jnp.float32),
            pltpu.VMEM((n_pad,), jnp.float32),
            pltpu.VMEM_SHARED((n_pad,), jnp.float32),
            pltpu.SemaphoreType.DMA,
            pltpu.SemaphoreType.DMA,
            pltpu.SemaphoreType.DMA,
        ],
        compiler_params=pltpu.CompilerParams(needs_layout_passes=False),
    )
    def hist(edges_hbm, out_sp, out_tile, idx_lo, idx_hi, ones_v, zeros_v,
             cnt_v, shared, sem_lo, sem_hi, sem_add):
        cid = lax.axis_index("c")
        sid = lax.axis_index("s")
        wid = sid * _NC + cid
        base = wid * chunk

        in_lo = pltpu.async_copy(edges_hbm.at[pl.ds(base, lo)], idx_lo, sem_lo)
        in_hi = pltpu.async_copy(edges_hbm.at[pl.ds(base + lo, hi)], idx_hi,
                                 sem_hi)

        def fill_ones(i, carry):
            for j in range(u_ones):
                ones_v[pl.ds((i * u_ones + j) * _LANES, _LANES)] = (
                    jnp.ones((_LANES,), jnp.float32))
            return carry

        lax.fori_loop(0, ones_n // _LANES // u_ones, fill_ones, 0)

        def fill_zeros(i, carry):
            for j in range(u_zero):
                cnt_v[pl.ds((i * u_zero + j) * _LANES, _LANES)] = (
                    jnp.zeros((_LANES,), jnp.float32))
            return carry

        lax.fori_loop(0, n_pad // _LANES // u_zero, fill_zeros, 0)

        def fill_zs(i, carry):
            for j in range(u_zs):
                zeros_v[pl.ds((i * u_zs + j) * _LANES, _LANES)] = (
                    jnp.zeros((_LANES,), jnp.float32))
            return carry

        lax.fori_loop(0, stripe // _LANES // u_zs, fill_zs, 0)

        pltpu.sync_copy(zeros_v, shared.at[pl.ds(sid * stripe, stripe)])
        in_hi.wait()
        plsc.subcore_barrier()
        add_hi = pltpu.async_copy(ones_v.at[pl.ds(0, hi)], shared.at[idx_hi],
                                  sem_add, add=True)

        in_lo.wait()
        ones = jnp.ones((_LANES,), jnp.float32)

        def body(i, carry):
            for j in range(u_hist):
                plsc.addupdate_scatter(
                    cnt_v, [idx_lo[pl.ds((i * u_hist + j) * _LANES, _LANES)]],
                    ones)
            return carry

        lax.fori_loop(0, rows_lo // u_hist, body, 0)
        pltpu.sync_copy(cnt_v, out_tile.at[wid, 0])

        add_hi.wait()
        plsc.subcore_barrier()
        pltpu.sync_copy(shared.at[pl.ds(sid * stripe, stripe)],
                        out_sp.at[cid, 0, pl.ds(sid * stripe, stripe)])

    return hist


def _mm_body(f_ref, w_ref, out_ref):
    x = jnp.dot(f_ref[...], w_ref[...], preferred_element_type=jnp.float32)
    d = x.shape[-1]
    n2 = jnp.dot(x * x, jnp.ones((d, 1), jnp.float32),
                 preferred_element_type=jnp.float32)
    nrm = jnp.sqrt(n2)
    out_ref[...] = (x * (nrm / (nrm + _EPS))).astype(jnp.bfloat16)


def _make_mm(n, d, blk):
    return pl.pallas_call(
        _mm_body,
        grid=(-(-n // blk),),
        in_specs=[
            pl.BlockSpec((blk, d), lambda i: (i, 0)),
            pl.BlockSpec((d, d), lambda i: (0, 0)),
        ],
        out_specs=pl.BlockSpec((blk, d), lambda i: (i, 0)),
        out_shape=jax.ShapeDtypeStruct((n, d), jnp.bfloat16),
    )


def _scale_body(y_ref, csp_ref, ct_ref, out_ref):
    cnt = csp_ref[0, 0] + csp_ref[1, 0]
    for w in range(ct_ref.shape[0]):
        cnt = cnt + ct_ref[w, 0]
    blk = cnt.shape[-1]
    s = jnp.sqrt(cnt).reshape(blk, 1)
    out_ref[...] = y_ref[...].astype(jnp.float32) * s


def _make_scale(n, d, nw, n_pad, blk):
    return pl.pallas_call(
        _scale_body,
        grid=(-(-n // blk),),
        in_specs=[
            pl.BlockSpec((blk, d), lambda i: (i, 0)),
            pl.BlockSpec((_NC, 1, blk), lambda i: (0, 0, i)),
            pl.BlockSpec((nw, 1, blk), lambda i: (0, 0, i)),
        ],
        out_specs=pl.BlockSpec((blk, d), lambda i: (i, 0)),
        out_shape=jax.ShapeDtypeStruct((n, d), jnp.float32),
    )


def kernel(node_features, edge_dst, Wq, Wk, Wv, w_dot):
    n, d = node_features.shape
    e = edge_dst.shape[0]
    nw = _NC * _NS
    assert e % (nw * _LANES) == 0
    chunk = e // nw
    n_pad = -(-n // (_NS * _LANES)) * (_NS * _LANES)

    csp, ct = _make_histogram(nw, chunk, n_pad)(edge_dst)

    blk = n_pad // 2
    y = _make_mm(n, d, blk)(node_features, Wv)
    return _make_scale(n, d, nw, n_pad, blk)(y, csp, ct)

# --- scband reference (transcript-rebuilt; emitter-appended) ---
"""Pipeline reference for scband-transformer-update-13932873909294 (READ-ONLY COPY).

The authoritative reference and input builder live on the scoring server;
editing this copy changes nothing except your own understanding.
"""

import jax, jax.numpy as jnp
import numpy as np

EPS = 1e-05

def _norm_act(x):
    # e3nn NormActivation with relu on scalar-channel irreps: scale features by act(norm)/norm per row
    n = jnp.linalg.norm(x, axis=-1, keepdims=True)
    return x * (jax.nn.relu(n) / (n + EPS))

def setup_inputs(seed: int = 0) -> dict:
    key = jax.random.key(seed)
    ks = jax.random.split(key, 6)
    N, E, D = 10000, 320000, 128
    node_features = jax.random.normal(ks[0], (N, D), dtype=jnp.float32)
    edge_dst = jnp.sort(jax.random.randint(ks[1], (E,), 0, N, dtype=jnp.int32))
    scale = 1.0 / np.sqrt(D)
    Wq = jax.random.normal(ks[2], (D, D), dtype=jnp.float32) * scale
    Wk = jax.random.normal(ks[3], (D, D), dtype=jnp.float32) * scale
    Wv = jax.random.normal(ks[4], (D, D), dtype=jnp.float32) * scale
    w_dot = jax.random.normal(ks[5], (D,), dtype=jnp.float32) * 0.05
    return {"node_features": node_features, "edge_dst": edge_dst, "Wq": Wq, "Wk": Wk, "Wv": Wv, "w_dot": w_dot}

def reference(node_features, edge_dst, Wq, Wk, Wv, w_dot):
    N = node_features.shape[0]
    f = node_features
    q = _norm_act(f @ Wq)
    k = _norm_act(f @ Wk)
    v = _norm_act(f @ Wv)
    # per-edge fully-connected tensor product to scalar: weighted dot of gathered q and k
    q_e = jnp.take(q, edge_dst, axis=0)
    k_e = jnp.take(k, edge_dst, axis=0)
    dot = jnp.sum(q_e * k_e * w_dot, axis=-1, keepdims=True)
    exp = jnp.exp(dot)
    z = jax.ops.segment_sum(exp, edge_dst, num_segments=N)
    z = jnp.where(z == 0, 1.0, z)
    alpha = exp / jnp.take(z, edge_dst, axis=0)
    v_e = jnp.take(v, edge_dst, axis=0)
    msg = jnp.sqrt(jax.nn.relu(alpha)) * v_e
    f_out = jax.ops.segment_sum(msg, edge_dst, num_segments=N)
    return f_out

if __name__ == "__main__":
    import jax
    _d = setup_inputs()
    print(jax.jit(kernel)(*tuple(_d.values())))

</pallas_src>

<mosaic_0001>
#map = affine_map<(d0, d1) -> (0)>
#map1 = affine_map<(d0, d1) -> (0, 0, 0)>
module attributes {stable_mosaic.version = 14 : i64} {
  func.func @hist(%arg0: i32, %arg1: i32, %arg2: memref<320000xi32, #tpu.memory_space<hbm>>, %arg3: memref<2x1x10240xf32, #tpu.memory_space<hbm>>, %arg4: memref<32x1x10240xf32, #tpu.memory_space<hbm>>, %arg5: memref<5248xi32, #tpu.memory_space<vmem>>, %arg6: memref<4752xi32, #tpu.memory_space<vmem>>, %arg7: memref<4864xf32, #tpu.memory_space<vmem>>, %arg8: memref<640xf32, #tpu.memory_space<vmem>>, %arg9: memref<10240xf32, #tpu.memory_space<vmem>>, %arg10: memref<10240xf32, #tpu.memory_space<vmem_shared>>, %arg11: memref<!tpu.dma_semaphore, #tpu.memory_space<semaphore_mem>>, %arg12: memref<!tpu.dma_semaphore, #tpu.memory_space<semaphore_mem>>, %arg13: memref<!tpu.dma_semaphore, #tpu.memory_space<semaphore_mem>>) attributes {dimension_semantics = [#tpu.dimension_semantics<core_parallel>, #tpu.dimension_semantics<subcore_parallel>], iteration_bounds = array<i64: 2, 16>, scalar_prefetch = 0 : i64, scratch_operands = 9 : i64, tpu.core_type = #tpu.core_type<sc_vector_subcore>, window_params = [{transform_indices = #map}, {transform_indices = #map1}, {transform_indices = #map1}]} {
    %mul3A = arith.constant 2 : i32
    %mul3A_0 = arith.muli %arg1, %mul3A : i32
    %add3A = arith.addi %mul3A_0, %arg0 : i32
    %mul3A_1 = arith.constant 10000 : i32
    %mul3A_2 = arith.muli %add3A, %mul3A_1 : i32
    %dma_start3A = tpu.memref_slice %arg2[%mul3A_2] : memref<320000xi32, #tpu.memory_space<hbm>> -> memref<5248xi32, #tpu.memory_space<hbm>>
    %dma_start3A_3 = tpu.memref_slice %arg2[%mul3A_2] : memref<320000xi32, #tpu.memory_space<hbm>> -> memref<5248xi32, #tpu.memory_space<hbm>>
    tpu.enqueue_dma source(%dma_start3A_3 : memref<5248xi32, #tpu.memory_space<hbm>>) target(%arg5 : memref<5248xi32, #tpu.memory_space<vmem>>) target_semaphore(%arg11 : memref<!tpu.dma_semaphore, #tpu.memory_space<semaphore_mem>>)
    %add3A_4 = arith.constant 5248 : i32
    %add3A_5 = arith.addi %mul3A_2, %add3A_4 : i32
    %dma_start3A_6 = tpu.memref_slice %arg2[%add3A_5] : memref<320000xi32, #tpu.memory_space<hbm>> -> memref<4752xi32, #tpu.memory_space<hbm>>
    %dma_start3A_7 = tpu.memref_slice %arg2[%add3A_5] : memref<320000xi32, #tpu.memory_space<hbm>> -> memref<4752xi32, #tpu.memory_space<hbm>>
    tpu.enqueue_dma source(%dma_start3A_7 : memref<4752xi32, #tpu.memory_space<hbm>>) target(%arg6 : memref<4752xi32, #tpu.memory_space<vmem>>) target_semaphore(%arg12 : memref<!tpu.dma_semaphore, #tpu.memory_space<semaphore_mem>>)
    %scan3A = arith.constant 0 : i32
    %scan3A_8 = arith.constant 0 : i32
    %scan3A_9 = arith.constant 19 : i32
    %scan3A_10 = arith.addi %scan3A_8, %scan3A_9 : i32
    %scan3A_11 = arith.constant 1 : i32
    scf.for %scan3A_51 = %scan3A_8 to %scan3A_10 step %scan3A_11  : i32 {
      %broadcast_in_dim3A_52 = arith.constant 1.000000e+00 : f32
      %broadcast_in_dim3A_53 = vector.broadcast %broadcast_in_dim3A_52 : f32 to vector<16xf32>
      %mul3A_54 = arith.constant 16 : i32
      %mul3A_55 = arith.muli %scan3A_51, %mul3A_54 : i32
      %add3A_56 = arith.constant 0 : i32
      %add3A_57 = arith.addi %mul3A_55, %add3A_56 : i32
      %mul3A_58 = arith.constant 16 : i32
      %mul3A_59 = arith.muli %add3A_57, %mul3A_58 : i32
      %swap3A = arith.index_cast %mul3A_59 : i32 to index
      %swap3A_60 = tpu.vector_load %arg7[%swap3A] {strides = array<i32>} : memref<4864xf32, #tpu.memory_space<vmem>>, vector<16xf32>,
      tpu.vector_store %arg7[%swap3A], %broadcast_in_dim3A_53 {strides = array<i32>} : memref<4864xf32, #tpu.memory_space<vmem>>, vector<16xf32>,
      %broadcast_in_dim3A_61 = arith.constant 1.000000e+00 : f32
      %broadcast_in_dim3A_62 = vector.broadcast %broadcast_in_dim3A_61 : f32 to vector<16xf32>
      %mul3A_63 = arith.constant 16 : i32
      %mul3A_64 = arith.muli %scan3A_51, %mul3A_63 : i32
      %add3A_65 = arith.constant 1 : i32
      %add3A_66 = arith.addi %mul3A_64, %add3A_65 : i32
      %mul3A_67 = arith.constant 16 : i32
      %mul3A_68 = arith.muli %add3A_66, %mul3A_67 : i32
      %swap3A_69 = arith.index_cast %mul3A_68 : i32 to index
      %swap3A_70 = tpu.vector_load %arg7[%swap3A_69] {strides = array<i32>} : memref<4864xf32, #tpu.memory_space<vmem>>, vector<16xf32>,
      tpu.vector_store %arg7[%swap3A_69], %broadcast_in_dim3A_62 {strides = array<i32>} : memref<4864xf32, #tpu.memory_space<vmem>>, vector<16xf32>,
      %broadcast_in_dim3A_71 = arith.constant 1.000000e+00 : f32
      %broadcast_in_dim3A_72 = vector.broadcast %broadcast_in_dim3A_71 : f32 to vector<16xf32>
      %mul3A_73 = arith.constant 16 : i32
      %mul3A_74 = arith.muli %scan3A_51, %mul3A_73 : i32
      %add3A_75 = arith.constant 2 : i32
      %add3A_76 = arith.addi %mul3A_74, %add3A_75 : i32
      %mul3A_77 = arith.constant 16 : i32
      %mul3A_78 = arith.muli %add3A_76, %mul3A_77 : i32
      %swap3A_79 = arith.index_cast %mul3A_78 : i32 to index
      %swap3A_80 = tpu.vector_load %arg7[%swap3A_79] {strides = array<i32>} : memref<4864xf32, #tpu.memory_space<vmem>>, vector<16xf32>,
      tpu.vector_store %arg7[%swap3A_79], %broadcast_in_dim3A_72 {strides = array<i32>} : memref<4864xf32, #tpu.memory_space<vmem>>, vector<16xf32>,
      %broadcast_in_dim3A_81 = arith.constant 1.000000e+00 : f32
      %broadcast_in_dim3A_82 = vector.broadcast %broadcast_in_dim3A_81 : f32 to vector<16xf32>
      %mul3A_83 = arith.constant 16 : i32
      %mul3A_84 = arith.muli %scan3A_51, %mul3A_83 : i32
      %add3A_85 = arith.constant 3 : i32
      %add3A_86 = arith.addi %mul3A_84, %add3A_85 : i32
      %mul3A_87 = arith.constant 16 : i32
      %mul3A_88 = arith.muli %add3A_86, %mul3A_87 : i32
      %swap3A_89 = arith.index_cast %mul3A_88 : i32 to index
      %swap3A_90 = tpu.vector_load %arg7[%swap3A_89] {strides = array<i32>} : memref<4864xf32, #tpu.memory_space<vmem>>, vector<16xf32>,
      tpu.vector_store %arg7[%swap3A_89], %broadcast_in_dim3A_82 {strides = array<i32>} : memref<4864xf32, #tpu.memory_space<vmem>>, vector<16xf32>,
      %broadcast_in_dim3A_91 = arith.constant 1.000000e+00 : f32
      %broadcast_in_dim3A_92 = vector.broadcast %broadcast_in_dim3A_91 : f32 to vector<16xf32>
      %mul3A_93 = arith.constant 16 : i32
      %mul3A_94 = arith.muli %scan3A_51, %mul3A_93 : i32
      %add3A_95 = arith.constant 4 : i32
      %add3A_96 = arith.addi %mul3A_94, %add3A_95 : i32
      %mul3A_97 = arith.constant 16 : i32
      %mul3A_98 = arith.muli %add3A_96, %mul3A_97 : i32
      %swap3A_99 = arith.index_cast %mul3A_98 : i32 to index
      %swap3A_100 = tpu.vector_load %arg7[%swap3A_99] {strides = array<i32>} : memref<4864xf32, #tpu.memory_space<vmem>>, vector<16xf32>,
      tpu.vector_store %arg7[%swap3A_99], %broadcast_in_dim3A_92 {strides = array<i32>} : memref<4864xf32, #tpu.memory_space<vmem>>, vector<16xf32>,
      %broadcast_in_dim3A_101 = arith.constant 1.000000e+00 : f32
      %broadcast_in_dim3A_102 = vector.broadcast %broadcast_in_dim3A_101 : f32 to vector<16xf32>
      %mul3A_103 = arith.constant 16 : i32
      %mul3A_104 = arith.muli %scan3A_51, %mul3A_103 : i32
      %add3A_105 = arith.constant 5 : i32
      %add3A_106 = arith.addi %mul3A_104, %add3A_105 : i32
      %mul3A_107 = arith.constant 16 : i32
      %mul3A_108 = arith.muli %add3A_106, %mul3A_107 : i32
      %swap3A_109 = arith.index_cast %mul3A_108 : i32 to index
      %swap3A_110 = tpu.vector_load %arg7[%swap3A_109] {strides = array<i32>} : memref<4864xf32, #tpu.memory_space<vmem>>, vector<16xf32>,
      tpu.vector_store %arg7[%swap3A_109], %broadcast_in_dim3A_102 {strides = array<i32>} : memref<4864xf32, #tpu.memory_space<vmem>>, vector<16xf32>,
      %broadcast_in_dim3A_111 = arith.constant 1.000000e+00 : f32
      %broadcast_in_dim3A_112 = vector.broadcast %broadcast_in_dim3A_111 : f32 to vector<16xf32>
      %mul3A_113 = arith.constant 16 : i32
      %mul3A_114 = arith.muli %scan3A_51, %mul3A_113 : i32
      %add3A_115 = arith.constant 6 : i32
      %add3A_116 = arith.addi %mul3A_114, %add3A_115 : i32
      %mul3A_117 = arith.constant 16 : i32
      %mul3A_118 = arith.muli %add3A_116, %mul3A_117 : i32
      %swap3A_119 = arith.index_cast %mul3A_118 : i32 to index
      %swap3A_120 = tpu.vector_load %arg7[%swap3A_119] {strides = array<i32>} : memref<4864xf32, #tpu.memory_space<vmem>>, vector<16xf32>,
      tpu.vector_store %arg7[%swap3A_119], %broadcast_in_dim3A_112 {strides = array<i32>} : memref<4864xf32, #tpu.memory_space<vmem>>, vector<16xf32>,
      %broadcast_in_dim3A_121 = arith.constant 1.000000e+00 : f32
      %broadcast_in_dim3A_122 = vector.broadcast %broadcast_in_dim3A_121 : f32 to vector<16xf32>
      %mul3A_123 = arith.constant 16 : i32
      %mul3A_124 = arith.muli %scan3A_51, %mul3A_123 : i32
      %add3A_125 = arith.constant 7 : i32
      %add3A_126 = arith.addi %mul3A_124, %add3A_125 : i32
      %mul3A_127 = arith.constant 16 : i32
      %mul3A_128 = arith.muli %add3A_126, %mul3A_127 : i32
      %swap3A_129 = arith.index_cast %mul3A_128 : i32 to index
      %swap3A_130 = tpu.vector_load %arg7[%swap3A_129] {strides = array<i32>} : memref<4864xf32, #tpu.memory_space<vmem>>, vector<16xf32>,
      tpu.vector_store %arg7[%swap3A_129], %broadcast_in_dim3A_122 {strides = array<i32>} : memref<4864xf32, #tpu.memory_space<vmem>>, vector<16xf32>,
      %broadcast_in_dim3A_131 = arith.constant 1.000000e+00 : f32
      %broadcast_in_dim3A_132 = vector.broadcast %broadcast_in_dim3A_131 : f32 to vector<16xf32>
      %mul3A_133 = arith.constant 16 : i32
      %mul3A_134 = arith.muli %scan3A_51, %mul3A_133 : i32
      %add3A_135 = arith.constant 8 : i32
      %add3A_136 = arith.addi %mul3A_134, %add3A_135 : i32
      %mul3A_137 = arith.constant 16 : i32
      %mul3A_138 = arith.muli %add3A_136, %mul3A_137 : i32
      %swap3A_139 = arith.index_cast %mul3A_138 : i32 to index
      %swap3A_140 = tpu.vector_load %arg7[%swap3A_139] {strides = array<i32>} : memref<4864xf32, #tpu.memory_space<vmem>>, vector<16xf32>,
      tpu.vector_store %arg7[%swap3A_139], %broadcast_in_dim3A_132 {strides = array<i32>} : memref<4864xf32, #tpu.memory_space<vmem>>, vector<16xf32>,
      %broadcast_in_dim3A_141 = arith.constant 1.000000e+00 : f32
      %broadcast_in_dim3A_142 = vector.broadcast %broadcast_in_dim3A_141 : f32 to vector<16xf32>
      %mul3A_143 = arith.constant 16 : i32
      %mul3A_144 = arith.muli %scan3A_51, %mul3A_143 : i32
      %add3A_145 = arith.constant 9 : i32
      %add3A_146 = arith.addi %mul3A_144, %add3A_145 : i32
      %mul3A_147 = arith.constant 16 : i32
      %mul3A_148 = arith.muli %add3A_146, %mul3A_147 : i32
      %swap3A_149 = arith.index_cast %mul3A_148 : i32 to index
      %swap3A_150 = tpu.vector_load %arg7[%swap3A_149] {strides = array<i32>} : memref<4864xf32, #tpu.memory_space<vmem>>, vector<16xf32>,
      tpu.vector_store %arg7[%swap3A_149], %broadcast_in_dim3A_142 {strides = array<i32>} : memref<4864xf32, #tpu.memory_space<vmem>>, vector<16xf32>,
      %broadcast_in_dim3A_151 = arith.constant 1.000000e+00 : f32
      %broadcast_in_dim3A_152 = vector.broadcast %broadcast_in_dim3A_151 : f32 to vector<16xf32>
      %mul3A_153 = arith.constant 16 : i32
      %mul3A_154 = arith.muli %scan3A_51, %mul3A_153 : i32
      %add3A_155 = arith.constant 10 : i32
      %add3A_156 = arith.addi %mul3A_154, %add3A_155 : i32
      %mul3A_157 = arith.constant 16 : i32
      %mul3A_158 = arith.muli %add3A_156, %mul3A_157 : i32
      %swap3A_159 = arith.index_cast %mul3A_158 : i32 to index
      %swap3A_160 = tpu.vector_load %arg7[%swap3A_159] {strides = array<i32>} : memref<4864xf32, #tpu.memory_space<vmem>>, vector<16xf32>,
      tpu.vector_store %arg7[%swap3A_159], %broadcast_in_dim3A_152 {strides = array<i32>} : memref<4864xf32, #tpu.memory_space<vmem>>, vector<16xf32>,
      %broadcast_in_dim3A_161 = arith.constant 1.000000e+00 : f32
      %broadcast_in_dim3A_162 = vector.broadcast %broadcast_in_dim3A_161 : f32 to vector<16xf32>
      %mul3A_163 = arith.constant 16 : i32
      %mul3A_164 = arith.muli %scan3A_51, %mul3A_163 : i32
      %add3A_165 = arith.constant 11 : i32
      %add3A_166 = arith.addi %mul3A_164, %add3A_165 : i32
      %mul3A_167 = arith.constant 16 : i32
      %mul3A_168 = arith.muli %add3A_166, %mul3A_167 : i32
      %swap3A_169 = arith.index_cast %mul3A_168 : i32 to index
      %swap3A_170 = tpu.vector_load %arg7[%swap3A_169] {strides = array<i32>} : memref<4864xf32, #tpu.memory_space<vmem>>, vector<16xf32>,
      tpu.vector_store %arg7[%swap3A_169], %broadcast_in_dim3A_162 {strides = array<i32>} : memref<4864xf32, #tpu.memory_space<vmem>>, vector<16xf32>,
      %broadcast_in_dim3A_171 = arith.constant 1.000000e+00 : f32
      %broadcast_in_dim3A_172 = vector.broadcast %broadcast_in_dim3A_171 : f32 to vector<16xf32>
      %mul3A_173 = arith.constant 16 : i32
      %mul3A_174 = arith.muli %scan3A_51, %mul3A_173 : i32
      %add3A_175 = arith.constant 12 : i32
      %add3A_176 = arith.addi %mul3A_174, %add3A_175 : i32
      %mul3A_177 = arith.constant 16 : i32
      %mul3A_178 = arith.muli %add3A_176, %mul3A_177 : i32
      %swap3A_179 = arith.index_cast %mul3A_178 : i32 to index
      %swap3A_180 = tpu.vector_load %arg7[%swap3A_179] {strides = array<i32>} : memref<4864xf32, #tpu.memory_space<vmem>>, vector<16xf32>,
      tpu.vector_store %arg7[%swap3A_179], %broadcast_in_dim3A_172 {strides = array<i32>} : memref<4864xf32, #tpu.memory_space<vmem>>, vector<16xf32>,
      %broadcast_in_dim3A_181 = arith.constant 1.000000e+00 : f32
      %broadcast_in_dim3A_182 = vector.broadcast %broadcast_in_dim3A_181 : f32 to vector<16xf32>
      %mul3A_183 = arith.constant 16 : i32
      %mul3A_184 = arith.muli %scan3A_51, %mul3A_183 : i32
      %add3A_185 = arith.constant 13 : i32
      %add3A_186 = arith.addi %mul3A_184, %add3A_185 : i32
      %mul3A_187 = arith.constant 16 : i32
      %mul3A_188 = arith.muli %add3A_186, %mul3A_187 : i32
      %swap3A_189 = arith.index_cast %mul3A_188 : i32 to index
      %swap3A_190 = tpu.vector_load %arg7[%swap3A_189] {strides = array<i32>} : memref<4864xf32, #tpu.memory_space<vmem>>, vector<16xf32>,
      tpu.vector_store %arg7[%swap3A_189], %broadcast_in_dim3A_182 {strides = array<i32>} : memref<4864xf32, #tpu.memory_space<vmem>>, vector<16xf32>,
      %broadcast_in_dim3A_191 = arith.constant 1.000000e+00 : f32
      %broadcast_in_dim3A_192 = vector.broadcast %broadcast_in_dim3A_191 : f32 to vector<16xf32>
      %mul3A_193 = arith.constant 16 : i32
      %mul3A_194 = arith.muli %scan3A_51, %mul3A_193 : i32
      %add3A_195 = arith.constant 14 : i32
      %add3A_196 = arith.addi %mul3A_194, %add3A_195 : i32
      %mul3A_197 = arith.constant 16 : i32
      %mul3A_198 = arith.muli %add3A_196, %mul3A_197 : i32
      %swap3A_199 = arith.index_cast %mul3A_198 : i32 to index
      %swap3A_200 = tpu.vector_load %arg7[%swap3A_199] {strides = array<i32>} : memref<4864xf32, #tpu.memory_space<vmem>>, vector<16xf32>,
      tpu.vector_store %arg7[%swap3A_199], %broadcast_in_dim3A_192 {strides = array<i32>} : memref<4864xf32, #tpu.memory_space<vmem>>, vector<16xf32>,
      %broadcast_in_dim3A_201 = arith.constant 1.000000e+00 : f32
      %broadcast_in_dim3A_202 = vector.broadcast %broadcast_in_dim3A_201 : f32 to vector<16xf32>
      %mul3A_203 = arith.constant 16 : i32
      %mul3A_204 = arith.muli %scan3A_51, %mul3A_203 : i32
      %add3A_205 = arith.constant 15 : i32
      %add3A_206 = arith.addi %mul3A_204, %add3A_205 : i32
      %mul3A_207 = arith.constant 16 : i32
      %mul3A_208 = arith.muli %add3A_206, %mul3A_207 : i32
      %swap3A_209 = arith.index_cast %mul3A_208 : i32 to index
      %swap3A_210 = tpu.vector_load %arg7[%swap3A_209] {strides = array<i32>} : memref<4864xf32, #tpu.memory_space<vmem>>, vector<16xf32>,
      tpu.vector_store %arg7[%swap3A_209], %broadcast_in_dim3A_202 {strides = array<i32>} : memref<4864xf32, #tpu.memory_space<vmem>>, vector<16xf32>,
    }
    %scan3A_12 = arith.constant 19 : i32
    %scan3A_13 = arith.constant 0 : i32
    %scan3A_14 = arith.constant 0 : i32
    %scan3A_15 = arith.constant 40 : i32
    %scan3A_16 = arith.addi %scan3A_14, %scan3A_15 : i32
    %scan3A_17 = arith.constant 1 : i32
    scf.for %scan3A_51 = %scan3A_14 to %scan3A_16 step %scan3A_17  : i32 {
      %broadcast_in_dim3A_52 = arith.constant 0.000000e+00 : f32
      %broadcast_in_dim3A_53 = vector.broadcast %broadcast_in_dim3A_52 : f32 to vector<16xf32>
      %mul3A_54 = arith.constant 16 : i32
      %mul3A_55 = arith.muli %scan3A_51, %mul3A_54 : i32
      %add3A_56 = arith.constant 0 : i32
      %add3A_57 = arith.addi %mul3A_55, %add3A_56 : i32
      %mul3A_58 = arith.constant 16 : i32
      %mul3A_59 = arith.muli %add3A_57, %mul3A_58 : i32
      %swap3A = arith.index_cast %mul3A_59 : i32 to index
      %swap3A_60 = tpu.vector_load %arg9[%swap3A] {strides = array<i32>} : memref<10240xf32, #tpu.memory_space<vmem>>, vector<16xf32>,
      tpu.vector_store %arg9[%swap3A], %broadcast_in_dim3A_53 {strides = array<i32>} : memref<10240xf32, #tpu.memory_space<vmem>>, vector<16xf32>,
      %broadcast_in_dim3A_61 = arith.constant 0.000000e+00 : f32
      %broadcast_in_dim3A_62 = vector.broadcast %broadcast_in_dim3A_61 : f32 to vector<16xf32>
      %mul3A_63 = arith.constant 16 : i32
      %mul3A_64 = arith.muli %scan3A_51, %mul3A_63 : i32
      %add3A_65 = arith.constant 1 : i32
      %add3A_66 = arith.addi %mul3A_64, %add3A_65 : i32
      %mul3A_67 = arith.constant 16 : i32
      %mul3A_68 = arith.muli %add3A_66, %mul3A_67 : i32
      %swap3A_69 = arith.index_cast %mul3A_68 : i32 to index
      %swap3A_70 = tpu.vector_load %arg9[%swap3A_69] {strides = array<i32>} : memref<10240xf32, #tpu.memory_space<vmem>>, vector<16xf32>,
      tpu.vector_store %arg9[%swap3A_69], %broadcast_in_dim3A_62 {strides = array<i32>} : memref<10240xf32, #tpu.memory_space<vmem>>, vector<16xf32>,
      %broadcast_in_dim3A_71 = arith.constant 0.000000e+00 : f32
      %broadcast_in_dim3A_72 = vector.broadcast %broadcast_in_dim3A_71 : f32 to vector<16xf32>
      %mul3A_73 = arith.constant 16 : i32
      %mul3A_74 = arith.muli %scan3A_51, %mul3A_73 : i32
      %add3A_75 = arith.constant 2 : i32
      %add3A_76 = arith.addi %mul3A_74, %add3A_75 : i32
      %mul3A_77 = arith.constant 16 : i32
      %mul3A_78 = arith.muli %add3A_76, %mul3A_77 : i32
      %swap3A_79 = arith.index_cast %mul3A_78 : i32 to index
      %swap3A_80 = tpu.vector_load %arg9[%swap3A_79] {strides = array<i32>} : memref<10240xf32, #tpu.memory_space<vmem>>, vector<16xf32>,
      tpu.vector_store %arg9[%swap3A_79], %broadcast_in_dim3A_72 {strides = array<i32>} : memref<10240xf32, #tpu.memory_space<vmem>>, vector<16xf32>,
      %broadcast_in_dim3A_81 = arith.constant 0.000000e+00 : f32
      %broadcast_in_dim3A_82 = vector.broadcast %broadcast_in_dim3A_81 : f32 to vector<16xf32>
      %mul3A_83 = arith.constant 16 : i32
      %mul3A_84 = arith.muli %scan3A_51, %mul3A_83 : i32
      %add3A_85 = arith.constant 3 : i32
      %add3A_86 = arith.addi %mul3A_84, %add3A_85 : i32
      %mul3A_87 = arith.constant 16 : i32
      %mul3A_88 = arith.muli %add3A_86, %mul3A_87 : i32
      %swap3A_89 = arith.index_cast %mul3A_88 : i32 to index
      %swap3A_90 = tpu.vector_load %arg9[%swap3A_89] {strides = array<i32>} : memref<10240xf32, #tpu.memory_space<vmem>>, vector<16xf32>,
      tpu.vector_store %arg9[%swap3A_89], %broadcast_in_dim3A_82 {strides = array<i32>} : memref<10240xf32, #tpu.memory_space<vmem>>, vector<16xf32>,
      %broadcast_in_dim3A_91 = arith.constant 0.000000e+00 : f32
      %broadcast_in_dim3A_92 = vector.broadcast %broadcast_in_dim3A_91 : f32 to vector<16xf32>
      %mul3A_93 = arith.constant 16 : i32
      %mul3A_94 = arith.muli %scan3A_51, %mul3A_93 : i32
      %add3A_95 = arith.constant 4 : i32
      %add3A_96 = arith.addi %mul3A_94, %add3A_95 : i32
      %mul3A_97 = arith.constant 16 : i32
      %mul3A_98 = arith.muli %add3A_96, %mul3A_97 : i32
      %swap3A_99 = arith.index_cast %mul3A_98 : i32 to index
      %swap3A_100 = tpu.vector_load %arg9[%swap3A_99] {strides = array<i32>} : memref<10240xf32, #tpu.memory_space<vmem>>, vector<16xf32>,
      tpu.vector_store %arg9[%swap3A_99], %broadcast_in_dim3A_92 {strides = array<i32>} : memref<10240xf32, #tpu.memory_space<vmem>>, vector<16xf32>,
      %broadcast_in_dim3A_101 = arith.constant 0.000000e+00 : f32
      %broadcast_in_dim3A_102 = vector.broadcast %broadcast_in_dim3A_101 : f32 to vector<16xf32>
      %mul3A_103 = arith.constant 16 : i32
      %mul3A_104 = arith.muli %scan3A_51, %mul3A_103 : i32
      %add3A_105 = arith.constant 5 : i32
      %add3A_106 = arith.addi %mul3A_104, %add3A_105 : i32
      %mul3A_107 = arith.constant 16 : i32
      %mul3A_108 = arith.muli %add3A_106, %mul3A_107 : i32
      %swap3A_109 = arith.index_cast %mul3A_108 : i32 to index
      %swap3A_110 = tpu.vector_load %arg9[%swap3A_109] {strides = array<i32>} : memref<10240xf32, #tpu.memory_space<vmem>>, vector<16xf32>,
      tpu.vector_store %arg9[%swap3A_109], %broadcast_in_dim3A_102 {strides = array<i32>} : memref<10240xf32, #tpu.memory_space<vmem>>, vector<16xf32>,
      %broadcast_in_dim3A_111 = arith.constant 0.000000e+00 : f32
      %broadcast_in_dim3A_112 = vector.broadcast %broadcast_in_dim3A_111 : f32 to vector<16xf32>
      %mul3A_113 = arith.constant 16 : i32
      %mul3A_114 = arith.muli %scan3A_51, %mul3A_113 : i32
      %add3A_115 = arith.constant 6 : i32
      %add3A_116 = arith.addi %mul3A_114, %add3A_115 : i32
      %mul3A_117 = arith.constant 16 : i32
      %mul3A_118 = arith.muli %add3A_116, %mul3A_117 : i32
      %swap3A_119 = arith.index_cast %mul3A_118 : i32 to index
      %swap3A_120 = tpu.vector_load %arg9[%swap3A_119] {strides = array<i32>} : memref<10240xf32, #tpu.memory_space<vmem>>, vector<16xf32>,
      tpu.vector_store %arg9[%swap3A_119], %broadcast_in_dim3A_112 {strides = array<i32>} : memref<10240xf32, #tpu.memory_space<vmem>>, vector<16xf32>,
      %broadcast_in_dim3A_121 = arith.constant 0.000000e+00 : f32
      %broadcast_in_dim3A_122 = vector.broadcast %broadcast_in_dim3A_121 : f32 to vector<16xf32>
      %mul3A_123 = arith.constant 16 : i32
      %mul3A_124 = arith.muli %scan3A_51, %mul3A_123 : i32
      %add3A_125 = arith.constant 7 : i32
      %add3A_126 = arith.addi %mul3A_124, %add3A_125 : i32
      %mul3A_127 = arith.constant 16 : i32
      %mul3A_128 = arith.muli %add3A_126, %mul3A_127 : i32
      %swap3A_129 = arith.index_cast %mul3A_128 : i32 to index
      %swap3A_130 = tpu.vector_load %arg9[%swap3A_129] {strides = array<i32>} : memref<10240xf32, #tpu.memory_space<vmem>>, vector<16xf32>,
      tpu.vector_store %arg9[%swap3A_129], %broadcast_in_dim3A_122 {strides = array<i32>} : memref<10240xf32, #tpu.memory_space<vmem>>, vector<16xf32>,
      %broadcast_in_dim3A_131 = arith.constant 0.000000e+00 : f32
      %broadcast_in_dim3A_132 = vector.broadcast %broadcast_in_dim3A_131 : f32 to vector<16xf32>
      %mul3A_133 = arith.constant 16 : i32
      %mul3A_134 = arith.muli %scan3A_51, %mul3A_133 : i32
      %add3A_135 = arith.constant 8 : i32
      %add3A_136 = arith.addi %mul3A_134, %add3A_135 : i32
      %mul3A_137 = arith.constant 16 : i32
      %mul3A_138 = arith.muli %add3A_136, %mul3A_137 : i32
      %swap3A_139 = arith.index_cast %mul3A_138 : i32 to index
      %swap3A_140 = tpu.vector_load %arg9[%swap3A_139] {strides = array<i32>} : memref<10240xf32, #tpu.memory_space<vmem>>, vector<16xf32>,
      tpu.vector_store %arg9[%swap3A_139], %broadcast_in_dim3A_132 {strides = array<i32>} : memref<10240xf32, #tpu.memory_space<vmem>>, vector<16xf32>,
      %broadcast_in_dim3A_141 = arith.constant 0.000000e+00 : f32
      %broadcast_in_dim3A_142 = vector.broadcast %broadcast_in_dim3A_141 : f32 to vector<16xf32>
      %mul3A_143 = arith.constant 16 : i32
      %mul3A_144 = arith.muli %scan3A_51, %mul3A_143 : i32
      %add3A_145 = arith.constant 9 : i32
      %add3A_146 = arith.addi %mul3A_144, %add3A_145 : i32
      %mul3A_147 = arith.constant 16 : i32
      %mul3A_148 = arith.muli %add3A_146, %mul3A_147 : i32
      %swap3A_149 = arith.index_cast %mul3A_148 : i32 to index
      %swap3A_150 = tpu.vector_load %arg9[%swap3A_149] {strides = array<i32>} : memref<10240xf32, #tpu.memory_space<vmem>>, vector<16xf32>,
      tpu.vector_store %arg9[%swap3A_149], %broadcast_in_dim3A_142 {strides = array<i32>} : memref<10240xf32, #tpu.memory_space<vmem>>, vector<16xf32>,
      %broadcast_in_dim3A_151 = arith.constant 0.000000e+00 : f32
      %broadcast_in_dim3A_152 = vector.broadcast %broadcast_in_dim3A_151 : f32 to vector<16xf32>
      %mul3A_153 = arith.constant 16 : i32
      %mul3A_154 = arith.muli %scan3A_51, %mul3A_153 : i32
      %add3A_155 = arith.constant 10 : i32
      %add3A_156 = arith.addi %mul3A_154, %add3A_155 : i32
      %mul3A_157 = arith.constant 16 : i32
      %mul3A_158 = arith.muli %add3A_156, %mul3A_157 : i32
      %swap3A_159 = arith.index_cast %mul3A_158 : i32 to index
      %swap3A_160 = tpu.vector_load %arg9[%swap3A_159] {strides = array<i32>} : memref<10240xf32, #tpu.memory_space<vmem>>, vector<16xf32>,
      tpu.vector_store %arg9[%swap3A_159], %broadcast_in_dim3A_152 {strides = array<i32>} : memref<10240xf32, #tpu.memory_space<vmem>>, vector<16xf32>,
      %broadcast_in_dim3A_161 = arith.constant 0.000000e+00 : f32
      %broadcast_in_dim3A_162 = vector.broadcast %broadcast_in_dim3A_161 : f32 to vector<16xf32>
      %mul3A_163 = arith.constant 16 : i32
      %mul3A_164 = arith.muli %scan3A_51, %mul3A_163 : i32
      %add3A_165 = arith.constant 11 : i32
      %add3A_166 = arith.addi %mul3A_164, %add3A_165 : i32
      %mul3A_167 = arith.constant 16 : i32
      %mul3A_168 = arith.muli %add3A_166, %mul3A_167 : i32
      %swap3A_169 = arith.index_cast %mul3A_168 : i32 to index
      %swap3A_170 = tpu.vector_load %arg9[%swap3A_169] {strides = array<i32>} : memref<10240xf32, #tpu.memory_space<vmem>>, vector<16xf32>,
      tpu.vector_store %arg9[%swap3A_169], %broadcast_in_dim3A_162 {strides = array<i32>} : memref<10240xf32, #tpu.memory_space<vmem>>, vector<16xf32>,
      %broadcast_in_dim3A_171 = arith.constant 0.000000e+00 : f32
      %broadcast_in_dim3A_172 = vector.broadcast %broadcast_in_dim3A_171 : f32 to vector<16xf32>
      %mul3A_173 = arith.constant 16 : i32
      %mul3A_174 = arith.muli %scan3A_51, %mul3A_173 : i32
      %add3A_175 = arith.constant 12 : i32
      %add3A_176 = arith.addi %mul3A_174, %add3A_175 : i32
      %mul3A_177 = arith.constant 16 : i32
      %mul3A_178 = arith.muli %add3A_176, %mul3A_177 : i32
      %swap3A_179 = arith.index_cast %mul3A_178 : i32 to index
      %swap3A_180 = tpu.vector_load %arg9[%swap3A_179] {strides = array<i32>} : memref<10240xf32, #tpu.memory_space<vmem>>, vector<16xf32>,
      tpu.vector_store %arg9[%swap3A_179], %broadcast_in_dim3A_172 {strides = array<i32>} : memref<10240xf32, #tpu.memory_space<vmem>>, vector<16xf32>,
      %broadcast_in_dim3A_181 = arith.constant 0.000000e+00 : f32
      %broadcast_in_dim3A_182 = vector.broadcast %broadcast_in_dim3A_181 : f32 to vector<16xf32>
      %mul3A_183 = arith.constant 16 : i32
      %mul3A_184 = arith.muli %scan3A_51, %mul3A_183 : i32
      %add3A_185 = arith.constant 13 : i32
      %add3A_186 = arith.addi %mul3A_184, %add3A_185 : i32
      %mul3A_187 = arith.constant 16 : i32
      %mul3A_188 = arith.muli %add3A_186, %mul3A_187 : i32
      %swap3A_189 = arith.index_cast %mul3A_188 : i32 to index
      %swap3A_190 = tpu.vector_load %arg9[%swap3A_189] {strides = array<i32>} : memref<10240xf32, #tpu.memory_space<vmem>>, vector<16xf32>,
      tpu.vector_store %arg9[%swap3A_189], %broadcast_in_dim3A_182 {strides = array<i32>} : memref<10240xf32, #tpu.memory_space<vmem>>, vector<16xf32>,
      %broadcast_in_dim3A_191 = arith.constant 0.000000e+00 : f32
      %broadcast_in_dim3A_192 = vector.broadcast %broadcast_in_dim3A_191 : f32 to vector<16xf32>
      %mul3A_193 = arith.constant 16 : i32
      %mul3A_194 = arith.muli %scan3A_51, %mul3A_193 : i32
      %add3A_195 = arith.constant 14 : i32
      %add3A_196 = arith.addi %mul3A_194, %add3A_195 : i32
      %mul3A_197 = arith.constant 16 : i32
      %mul3A_198 = arith.muli %add3A_196, %mul3A_197 : i32
      %swap3A_199 = arith.index_cast %mul3A_198 : i32 to index
      %swap3A_200 = tpu.vector_load %arg9[%swap3A_199] {strides = array<i32>} : memref<10240xf32, #tpu.memory_space<vmem>>, vector<16xf32>,
      tpu.vector_store %arg9[%swap3A_199], %broadcast_in_dim3A_192 {strides = array<i32>} : memref<10240xf32, #tpu.memory_space<vmem>>, vector<16xf32>,
      %broadcast_in_dim3A_201 = arith.constant 0.000000e+00 : f32
      %broadcast_in_dim3A_202 = vector.broadcast %broadcast_in_dim3A_201 : f32 to vector<16xf32>
      %mul3A_203 = arith.constant 16 : i32
      %mul3A_204 = arith.muli %scan3A_51, %mul3A_203 : i32
      %add3A_205 = arith.constant 15 : i32
      %add3A_206 = arith.addi %mul3A_204, %add3A_205 : i32
      %mul3A_207 = arith.constant 16 : i32
      %mul3A_208 = arith.muli %add3A_206, %mul3A_207 : i32
      %swap3A_209 = arith.index_cast %mul3A_208 : i32 to index
      %swap3A_210 = tpu.vector_load %arg9[%swap3A_209] {strides = array<i32>} : memref<10240xf32, #tpu.memory_space<vmem>>, vector<16xf32>,
      tpu.vector_store %arg9[%swap3A_209], %broadcast_in_dim3A_202 {strides = array<i32>} : memref<10240xf32, #tpu.memory_space<vmem>>, vector<16xf32>,
    }
    %scan3A_18 = arith.constant 40 : i32
    %scan3A_19 = arith.constant 0 : i32
    %scan3A_20 = arith.constant 0 : i32
    %scan3A_21 = arith.constant 4 : i32
    %scan3A_22 = arith.addi %scan3A_20, %scan3A_21 : i32
    %scan3A_23 = arith.constant 1 : i32
    scf.for %scan3A_51 = %scan3A_20 to %scan3A_22 step %scan3A_23  : i32 {
      %broadcast_in_dim3A_52 = arith.constant 0.000000e+00 : f32
      %broadcast_in_dim3A_53 = vector.broadcast %broadcast_in_dim3A_52 : f32 to vector<16xf32>
      %mul3A_54 = arith.constant 10 : i32
      %mul3A_55 = arith.muli %scan3A_51, %mul3A_54 : i32
      %add3A_56 = arith.constant 0 : i32
      %add3A_57 = arith.addi %mul3A_55, %add3A_56 : i32
      %mul3A_58 = arith.constant 16 : i32
      %mul3A_59 = arith.muli %add3A_57, %mul3A_58 : i32
      %swap3A = arith.index_cast %mul3A_59 : i32 to index
      %swap3A_60 = tpu.vector_load %arg8[%swap3A] {strides = array<i32>} : memref<640xf32, #tpu.memory_space<vmem>>, vector<16xf32>,
      tpu.vector_store %arg8[%swap3A], %broadcast_in_dim3A_53 {strides = array<i32>} : memref<640xf32, #tpu.memory_space<vmem>>, vector<16xf32>,
      %broadcast_in_dim3A_61 = arith.constant 0.000000e+00 : f32
      %broadcast_in_dim3A_62 = vector.broadcast %broadcast_in_dim3A_61 : f32 to vector<16xf32>
      %mul3A_63 = arith.constant 10 : i32
      %mul3A_64 = arith.muli %scan3A_51, %mul3A_63 : i32
      %add3A_65 = arith.constant 1 : i32
      %add3A_66 = arith.addi %mul3A_64, %add3A_65 : i32
      %mul3A_67 = arith.constant 16 : i32
      %mul3A_68 = arith.muli %add3A_66, %mul3A_67 : i32
      %swap3A_69 = arith.index_cast %mul3A_68 : i32 to index
      %swap3A_70 = tpu.vector_load %arg8[%swap3A_69] {strides = array<i32>} : memref<640xf32, #tpu.memory_space<vmem>>, vector<16xf32>,
      tpu.vector_store %arg8[%swap3A_69], %broadcast_in_dim3A_62 {strides = array<i32>} : memref<640xf32, #tpu.memory_space<vmem>>, vector<16xf32>,
      %broadcast_in_dim3A_71 = arith.constant 0.000000e+00 : f32
      %broadcast_in_dim3A_72 = vector.broadcast %broadcast_in_dim3A_71 : f32 to vector<16xf32>
      %mul3A_73 = arith.constant 10 : i32
      %mul3A_74 = arith.muli %scan3A_51, %mul3A_73 : i32
      %add3A_75 = arith.constant 2 : i32
      %add3A_76 = arith.addi %mul3A_74, %add3A_75 : i32
      %mul3A_77 = arith.constant 16 : i32
      %mul3A_78 = arith.muli %add3A_76, %mul3A_77 : i32
      %swap3A_79 = arith.index_cast %mul3A_78 : i32 to index
      %swap3A_80 = tpu.vector_load %arg8[%swap3A_79] {strides = array<i32>} : memref<640xf32, #tpu.memory_space<vmem>>, vector<16xf32>,
      tpu.vector_store %arg8[%swap3A_79], %broadcast_in_dim3A_72 {strides = array<i32>} : memref<640xf32, #tpu.memory_space<vmem>>, vector<16xf32>,
      %broadcast_in_dim3A_81 = arith.constant 0.000000e+00 : f32
      %broadcast_in_dim3A_82 = vector.broadcast %broadcast_in_dim3A_81 : f32 to vector<16xf32>
      %mul3A_83 = arith.constant 10 : i32
      %mul3A_84 = arith.muli %scan3A_51, %mul3A_83 : i32
      %add3A_85 = arith.constant 3 : i32
      %add3A_86 = arith.addi %mul3A_84, %add3A_85 : i32
      %mul3A_87 = arith.constant 16 : i32
      %mul3A_88 = arith.muli %add3A_86, %mul3A_87 : i32
      %swap3A_89 = arith.index_cast %mul3A_88 : i32 to index
      %swap3A_90 = tpu.vector_load %arg8[%swap3A_89] {strides = array<i32>} : memref<640xf32, #tpu.memory_space<vmem>>, vector<16xf32>,
      tpu.vector_store %arg8[%swap3A_89], %broadcast_in_dim3A_82 {strides = array<i32>} : memref<640xf32, #tpu.memory_space<vmem>>, vector<16xf32>,
      %broadcast_in_dim3A_91 = arith.constant 0.000000e+00 : f32
      %broadcast_in_dim3A_92 = vector.broadcast %broadcast_in_dim3A_91 : f32 to vector<16xf32>
      %mul3A_93 = arith.constant 10 : i32
      %mul3A_94 = arith.muli %scan3A_51, %mul3A_93 : i32
      %add3A_95 = arith.constant 4 : i32
      %add3A_96 = arith.addi %mul3A_94, %add3A_95 : i32
      %mul3A_97 = arith.constant 16 : i32
      %mul3A_98 = arith.muli %add3A_96, %mul3A_97 : i32
      %swap3A_99 = arith.index_cast %mul3A_98 : i32 to index
      %swap3A_100 = tpu.vector_load %arg8[%swap3A_99] {strides = array<i32>} : memref<640xf32, #tpu.memory_space<vmem>>, vector<16xf32>,
      tpu.vector_store %arg8[%swap3A_99], %broadcast_in_dim3A_92 {strides = array<i32>} : memref<640xf32, #tpu.memory_space<vmem>>, vector<16xf32>,
      %broadcast_in_dim3A_101 = arith.constant 0.000000e+00 : f32
      %broadcast_in_dim3A_102 = vector.broadcast %broadcast_in_dim3A_101 : f32 to vector<16xf32>
      %mul3A_103 = arith.constant 10 : i32
      %mul3A_104 = arith.muli %scan3A_51, %mul3A_103 : i32
      %add3A_105 = arith.constant 5 : i32
      %add3A_106 = arith.addi %mul3A_104, %add3A_105 : i32
      %mul3A_107 = arith.constant 16 : i32
      %mul3A_108 = arith.muli %add3A_106, %mul3A_107 : i32
      %swap3A_109 = arith.index_cast %mul3A_108 : i32 to index
      %swap3A_110 = tpu.vector_load %arg8[%swap3A_109] {strides = array<i32>} : memref<640xf32, #tpu.memory_space<vmem>>, vector<16xf32>,
      tpu.vector_store %arg8[%swap3A_109], %broadcast_in_dim3A_102 {strides = array<i32>} : memref<640xf32, #tpu.memory_space<vmem>>, vector<16xf32>,
      %broadcast_in_dim3A_111 = arith.constant 0.000000e+00 : f32
      %broadcast_in_dim3A_112 = vector.broadcast %broadcast_in_dim3A_111 : f32 to vector<16xf32>
      %mul3A_113 = arith.constant 10 : i32
      %mul3A_114 = arith.muli %scan3A_51, %mul3A_113 : i32
      %add3A_115 = arith.constant 6 : i32
      %add3A_116 = arith.addi %mul3A_114, %add3A_115 : i32
      %mul3A_117 = arith.constant 16 : i32
      %mul3A_118 = arith.muli %add3A_116, %mul3A_117 : i32
      %swap3A_119 = arith.index_cast %mul3A_118 : i32 to index
      %swap3A_120 = tpu.vector_load %arg8[%swap3A_119] {strides = array<i32>} : memref<640xf32, #tpu.memory_space<vmem>>, vector<16xf32>,
      tpu.vector_store %arg8[%swap3A_119], %broadcast_in_dim3A_112 {strides = array<i32>} : memref<640xf32, #tpu.memory_space<vmem>>, vector<16xf32>,
      %broadcast_in_dim3A_121 = arith.constant 0.000000e+00 : f32
      %broadcast_in_dim3A_122 = vector.broadcast %broadcast_in_dim3A_121 : f32 to vector<16xf32>
      %mul3A_123 = arith.constant 10 : i32
      %mul3A_124 = arith.muli %scan3A_51, %mul3A_123 : i32
      %add3A_125 = arith.constant 7 : i32
      %add3A_126 = arith.addi %mul3A_124, %add3A_125 : i32
      %mul3A_127 = arith.constant 16 : i32
      %mul3A_128 = arith.muli %add3A_126, %mul3A_127 : i32
      %swap3A_129 = arith.index_cast %mul3A_128 : i32 to index
      %swap3A_130 = tpu.vector_load %arg8[%swap3A_129] {strides = array<i32>} : memref<640xf32, #tpu.memory_space<vmem>>, vector<16xf32>,
      tpu.vector_store %arg8[%swap3A_129], %broadcast_in_dim3A_122 {strides = array<i32>} : memref<640xf32, #tpu.memory_space<vmem>>, vector<16xf32>,
      %broadcast_in_dim3A_131 = arith.constant 0.000000e+00 : f32
      %broadcast_in_dim3A_132 = vector.broadcast %broadcast_in_dim3A_131 : f32 to vector<16xf32>
      %mul3A_133 = arith.constant 10 : i32
      %mul3A_134 = arith.muli %scan3A_51, %mul3A_133 : i32
      %add3A_135 = arith.constant 8 : i32
      %add3A_136 = arith.addi %mul3A_134, %add3A_135 : i32
      %mul3A_137 = arith.constant 16 : i32
      %mul3A_138 = arith.muli %add3A_136, %mul3A_137 : i32
      %swap3A_139 = arith.index_cast %mul3A_138 : i32 to index
      %swap3A_140 = tpu.vector_load %arg8[%swap3A_139] {strides = array<i32>} : memref<640xf32, #tpu.memory_space<vmem>>, vector<16xf32>,
      tpu.vector_store %arg8[%swap3A_139], %broadcast_in_dim3A_132 {strides = array<i32>} : memref<640xf32, #tpu.memory_space<vmem>>, vector<16xf32>,
      %broadcast_in_dim3A_141 = arith.constant 0.000000e+00 : f32
      %broadcast_in_dim3A_142 = vector.broadcast %broadcast_in_dim3A_141 : f32 to vector<16xf32>
      %mul3A_143 = arith.constant 10 : i32
      %mul3A_144 = arith.muli %scan3A_51, %mul3A_143 : i32
      %add3A_145 = arith.constant 9 : i32
      %add3A_146 = arith.addi %mul3A_144, %add3A_145 : i32
      %mul3A_147 = arith.constant 16 : i32
      %mul3A_148 = arith.muli %add3A_146, %mul3A_147 : i32
      %swap3A_149 = arith.index_cast %mul3A_148 : i32 to index
      %swap3A_150 = tpu.vector_load %arg8[%swap3A_149] {strides = array<i32>} : memref<640xf32, #tpu.memory_space<vmem>>, vector<16xf32>,
      tpu.vector_store %arg8[%swap3A_149], %broadcast_in_dim3A_142 {strides = array<i32>} : memref<640xf32, #tpu.memory_space<vmem>>, vector<16xf32>,
    }
    %scan3A_24 = arith.constant 4 : i32
    %mul3A_25 = arith.constant 640 : i32
    %mul3A_26 = arith.muli %arg1, %mul3A_25 : i32
    "tpu.region"() ({
      %run_scoped3A_51 = tpu.sem_alloc : memref<!tpu.dma_semaphore, #tpu.memory_space<semaphore_mem>>
      %dma_start3A_52 = tpu.memref_slice %arg10[%mul3A_26] : memref<10240xf32, #tpu.memory_space<vmem_shared>> -> memref<640xf32, #tpu.memory_space<vmem_shared>>
      %dma_start3A_53 = tpu.memref_slice %arg10[%mul3A_26] : memref<10240xf32, #tpu.memory_space<vmem_shared>> -> memref<640xf32, #tpu.memory_space<vmem_shared>>
      tpu.enqueue_dma source(%arg8 : memref<640xf32, #tpu.memory_space<vmem>>) target(%dma_start3A_53 : memref<640xf32, #tpu.memory_space<vmem_shared>>) target_semaphore(%run_scoped3A_51 : memref<!tpu.dma_semaphore, #tpu.memory_space<semaphore_mem>>)
      %dma_wait3A_54 = tpu.memref_slice %arg10[%mul3A_26] : memref<10240xf32, #tpu.memory_space<vmem_shared>> -> memref<640xf32, #tpu.memory_space<vmem_shared>>
      %dma_wait3A_55 = tpu.memref_slice %arg10[%mul3A_26] : memref<10240xf32, #tpu.memory_space<vmem_shared>> -> memref<640xf32, #tpu.memory_space<vmem_shared>>
      tpu.wait_dma2 semaphore(%run_scoped3A_51 : memref<!tpu.dma_semaphore, #tpu.memory_space<semaphore_mem>>) src(%arg8 : memref<640xf32, #tpu.memory_space<vmem>>) dst(%dma_wait3A_55 : memref<640xf32, #tpu.memory_space<vmem_shared>>)
      tpu.yield
    }) : () -> ()
    %dma_wait3A = tpu.memref_slice %arg2[%add3A_5] : memref<320000xi32, #tpu.memory_space<hbm>> -> memref<4752xi32, #tpu.memory_space<hbm>>
    %dma_wait3A_27 = tpu.memref_slice %arg2[%add3A_5] : memref<320000xi32, #tpu.memory_space<hbm>> -> memref<4752xi32, #tpu.memory_space<hbm>>
    tpu.wait_dma2 semaphore(%arg12 : memref<!tpu.dma_semaphore, #tpu.memory_space<semaphore_mem>>) src(%dma_wait3A_27 : memref<4752xi32, #tpu.memory_space<hbm>>) dst(%arg6 : memref<4752xi32, #tpu.memory_space<vmem>>)
    %barrier3A = arith.constant 0 : index
    tpu.barrier barrier_id(%barrier3A)
    %dma_start3A_28 = arith.constant 0 : i32
    %dma_start3A_29 = tpu.memref_slice %arg7[%dma_start3A_28] : memref<4864xf32, #tpu.memory_space<vmem>> -> memref<4752xf32, #tpu.memory_space<vmem>>
    %dma_start3A_30 = arith.constant 0 : i32
    %dma_start3A_31 = tpu.memref_slice %arg10[%dma_start3A_30] : memref<10240xf32, #tpu.memory_space<vmem_shared>> -> memref<10240xf32, #tpu.memory_space<vmem_shared>>
    tpu.enqueue_indirect_dma source(%dma_start3A_29 : memref<4752xf32, #tpu.memory_space<vmem>>) target(%dma_start3A_31 : memref<10240xf32, #tpu.memory_space<vmem_shared>>) offsets(%arg6 : memref<4752xi32, #tpu.memory_space<vmem>>) semaphore(%arg13 : memref<!tpu.dma_semaphore, #tpu.memory_space<semaphore_mem>>) {add = true}
    %dma_wait3A_32 = tpu.memref_slice %arg2[%mul3A_2] : memref<320000xi32, #tpu.memory_space<hbm>> -> memref<5248xi32, #tpu.memory_space<hbm>>
    %dma_wait3A_33 = tpu.memref_slice %arg2[%mul3A_2] : memref<320000xi32, #tpu.memory_space<hbm>> -> memref<5248xi32, #tpu.memory_space<hbm>>
    tpu.wait_dma2 semaphore(%arg11 : memref<!tpu.dma_semaphore, #tpu.memory_space<semaphore_mem>>) src(%dma_wait3A_33 : memref<5248xi32, #tpu.memory_space<hbm>>) dst(%arg5 : memref<5248xi32, #tpu.memory_space<vmem>>)
    %broadcast_in_dim3A = arith.constant 1.000000e+00 : f32
    %broadcast_in_dim3A_34 = vector.broadcast %broadcast_in_dim3A : f32 to vector<16xf32>
    %scan3A_35 = arith.constant 0 : i32
    %scan3A_36 = arith.constant 0 : i32
    %scan3A_37 = arith.constant 41 : i32
    %scan3A_38 = arith.addi %scan3A_36, %scan3A_37 : i32
    %scan3A_39 = arith.constant 1 : i32
    scf.for %scan3A_51 = %scan3A_36 to %scan3A_38 step %scan3A_39  : i32 {
      %mul3A_52 = arith.constant 8 : i32
      %mul3A_53 = arith.muli %scan3A_51, %mul3A_52 : i32
      %add3A_54 = arith.constant 0 : i32
      %add3A_55 = arith.addi %mul3A_53, %add3A_54 : i32
      %mul3A_56 = arith.constant 16 : i32
      %mul3A_57 = arith.muli %add3A_55, %mul3A_56 : i32
      %get3A = arith.index_cast %mul3A_57 : i32 to index
      %get3A_58 = tpu.vector_load %arg5[%get3A] {strides = array<i32>} : memref<5248xi32, #tpu.memory_space<vmem>>, vector<16xi32>,
      tpu.vector_store_idx %arg9[%get3A_58], %broadcast_in_dim3A_34 {add = true} : memref<10240xf32, #tpu.memory_space<vmem>>[vector<16xi32>], vector<16xf32>,
      %mul3A_59 = arith.constant 8 : i32
      %mul3A_60 = arith.muli %scan3A_51, %mul3A_59 : i32
      %add3A_61 = arith.constant 1 : i32
      %add3A_62 = arith.addi %mul3A_60, %add3A_61 : i32
      %mul3A_63 = arith.constant 16 : i32
      %mul3A_64 = arith.muli %add3A_62, %mul3A_63 : i32
      %get3A_65 = arith.index_cast %mul3A_64 : i32 to index
      %get3A_66 = tpu.vector_load %arg5[%get3A_65] {strides = array<i32>} : memref<5248xi32, #tpu.memory_space<vmem>>, vector<16xi32>,
      tpu.vector_store_idx %arg9[%get3A_66], %broadcast_in_dim3A_34 {add = true} : memref<10240xf32, #tpu.memory_space<vmem>>[vector<16xi32>], vector<16xf32>,
      %mul3A_67 = arith.constant 8 : i32
      %mul3A_68 = arith.muli %scan3A_51, %mul3A_67 : i32
      %add3A_69 = arith.constant 2 : i32
      %add3A_70 = arith.addi %mul3A_68, %add3A_69 : i32
      %mul3A_71 = arith.constant 16 : i32
      %mul3A_72 = arith.muli %add3A_70, %mul3A_71 : i32
      %get3A_73 = arith.index_cast %mul3A_72 : i32 to index
      %get3A_74 = tpu.vector_load %arg5[%get3A_73] {strides = array<i32>} : memref<5248xi32, #tpu.memory_space<vmem>>, vector<16xi32>,
      tpu.vector_store_idx %arg9[%get3A_74], %broadcast_in_dim3A_34 {add = true} : memref<10240xf32, #tpu.memory_space<vmem>>[vector<16xi32>], vector<16xf32>,
      %mul3A_75 = arith.constant 8 : i32
      %mul3A_76 = arith.muli %scan3A_51, %mul3A_75 : i32
      %add3A_77 = arith.constant 3 : i32
      %add3A_78 = arith.addi %mul3A_76, %add3A_77 : i32
      %mul3A_79 = arith.constant 16 : i32
      %mul3A_80 = arith.muli %add3A_78, %mul3A_79 : i32
      %get3A_81 = arith.index_cast %mul3A_80 : i32 to index
      %get3A_82 = tpu.vector_load %arg5[%get3A_81] {strides = array<i32>} : memref<5248xi32, #tpu.memory_space<vmem>>, vector<16xi32>,
      tpu.vector_store_idx %arg9[%get3A_82], %broadcast_in_dim3A_34 {add = true} : memref<10240xf32, #tpu.memory_space<vmem>>[vector<16xi32>], vector<16xf32>,
      %mul3A_83 = arith.constant 8 : i32
      %mul3A_84 = arith.muli %scan3A_51, %mul3A_83 : i32
      %add3A_85 = arith.constant 4 : i32
      %add3A_86 = arith.addi %mul3A_84, %add3A_85 : i32
      %mul3A_87 = arith.constant 16 : i32
      %mul3A_88 = arith.muli %add3A_86, %mul3A_87 : i32
      %get3A_89 = arith.index_cast %mul3A_88 : i32 to index
      %get3A_90 = tpu.vector_load %arg5[%get3A_89] {strides = array<i32>} : memref<5248xi32, #tpu.memory_space<vmem>>, vector<16xi32>,
      tpu.vector_store_idx %arg9[%get3A_90], %broadcast_in_dim3A_34 {add = true} : memref<10240xf32, #tpu.memory_space<vmem>>[vector<16xi32>], vector<16xf32>,
      %mul3A_91 = arith.constant 8 : i32
      %mul3A_92 = arith.muli %scan3A_51, %mul3A_91 : i32
      %add3A_93 = arith.constant 5 : i32
      %add3A_94 = arith.addi %mul3A_92, %add3A_93 : i32
      %mul3A_95 = arith.constant 16 : i32
      %mul3A_96 = arith.muli %add3A_94, %mul3A_95 : i32
      %get3A_97 = arith.index_cast %mul3A_96 : i32 to index
      %get3A_98 = tpu.vector_load %arg5[%get3A_97] {strides = array<i32>} : memref<5248xi32, #tpu.memory_space<vmem>>, vector<16xi32>,
      tpu.vector_store_idx %arg9[%get3A_98], %broadcast_in_dim3A_34 {add = true} : memref<10240xf32, #tpu.memory_space<vmem>>[vector<16xi32>], vector<16xf32>,
      %mul3A_99 = arith.constant 8 : i32
      %mul3A_100 = arith.muli %scan3A_51, %mul3A_99 : i32
      %add3A_101 = arith.constant 6 : i32
      %add3A_102 = arith.addi %mul3A_100, %add3A_101 : i32
      %mul3A_103 = arith.constant 16 : i32
      %mul3A_104 = arith.muli %add3A_102, %mul3A_103 : i32
      %get3A_105 = arith.index_cast %mul3A_104 : i32 to index
      %get3A_106 = tpu.vector_load %arg5[%get3A_105] {strides = array<i32>} : memref<5248xi32, #tpu.memory_space<vmem>>, vector<16xi32>,
      tpu.vector_store_idx %arg9[%get3A_106], %broadcast_in_dim3A_34 {add = true} : memref<10240xf32, #tpu.memory_space<vmem>>[vector<16xi32>], vector<16xf32>,
      %mul3A_107 = arith.constant 8 : i32
      %mul3A_108 = arith.muli %scan3A_51, %mul3A_107 : i32
      %add3A_109 = arith.constant 7 : i32
      %add3A_110 = arith.addi %mul3A_108, %add3A_109 : i32
      %mul3A_111 = arith.constant 16 : i32
      %mul3A_112 = arith.muli %add3A_110, %mul3A_111 : i32
      %get3A_113 = arith.index_cast %mul3A_112 : i32 to index
      %get3A_114 = tpu.vector_load %arg5[%get3A_113] {strides = array<i32>} : memref<5248xi32, #tpu.memory_space<vmem>>, vector<16xi32>,
      tpu.vector_store_idx %arg9[%get3A_114], %broadcast_in_dim3A_34 {add = true} : memref<10240xf32, #tpu.memory_space<vmem>>[vector<16xi32>], vector<16xf32>,
    }
    %scan3A_40 = arith.constant 41 : i32
    %run_scoped3A = arith.constant 0 : i32
    "tpu.region"() ({
      %run_scoped3A_51 = tpu.sem_alloc : memref<!tpu.dma_semaphore, #tpu.memory_space<semaphore_mem>>
      %dma_start3A_52 = arith.constant 0 : i32
      %dma_start3A_53 = tpu.memref_slice %arg4[%add3A, %run_scoped3A, %dma_start3A_52] : memref<32x1x10240xf32, #tpu.memory_space<hbm>> -> memref<1x1x10240xf32, #tpu.memory_space<hbm>>
      %dma_start3A_54 = tpu.memref_squeeze %dma_start3A_53 : memref<1x1x10240xf32, #tpu.memory_space<hbm>> -> memref<10240xf32, #tpu.memory_space<hbm>>
      %dma_start3A_55 = arith.constant 0 : i32
      %dma_start3A_56 = tpu.memref_slice %arg4[%add3A, %run_scoped3A, %dma_start3A_55] : memref<32x1x10240xf32, #tpu.memory_space<hbm>> -> memref<1x1x10240xf32, #tpu.memory_space<hbm>>
      %dma_start3A_57 = tpu.memref_squeeze %dma_start3A_56 : memref<1x1x10240xf32, #tpu.memory_space<hbm>> -> memref<10240xf32, #tpu.memory_space<hbm>>
      tpu.enqueue_dma source(%arg9 : memref<10240xf32, #tpu.memory_space<vmem>>) target(%dma_start3A_57 : memref<10240xf32, #tpu.memory_space<hbm>>) target_semaphore(%run_scoped3A_51 : memref<!tpu.dma_semaphore, #tpu.memory_space<semaphore_mem>>)
      %dma_wait3A_58 = arith.constant 0 : i32
      %dma_wait3A_59 = tpu.memref_slice %arg4[%add3A, %run_scoped3A, %dma_wait3A_58] : memref<32x1x10240xf32, #tpu.memory_space<hbm>> -> memref<1x1x10240xf32, #tpu.memory_space<hbm>>
      %dma_wait3A_60 = tpu.memref_squeeze %dma_wait3A_59 : memref<1x1x10240xf32, #tpu.memory_space<hbm>> -> memref<10240xf32, #tpu.memory_space<hbm>>
      %dma_wait3A_61 = arith.constant 0 : i32
      %dma_wait3A_62 = tpu.memref_slice %arg4[%add3A, %run_scoped3A, %dma_wait3A_61] : memref<32x1x10240xf32, #tpu.memory_space<hbm>> -> memref<1x1x10240xf32, #tpu.memory_space<hbm>>
      %dma_wait3A_63 = tpu.memref_squeeze %dma_wait3A_62 : memref<1x1x10240xf32, #tpu.memory_space<hbm>> -> memref<10240xf32, #tpu.memory_space<hbm>>
      tpu.wait_dma2 semaphore(%run_scoped3A_51 : memref<!tpu.dma_semaphore, #tpu.memory_space<semaphore_mem>>) src(%arg9 : memref<10240xf32, #tpu.memory_space<vmem>>) dst(%dma_wait3A_63 : memref<10240xf32, #tpu.memory_space<hbm>>)
      tpu.yield
    }) : () -> ()
    %dma_wait3A_41 = arith.constant 0 : i32
    %dma_wait3A_42 = tpu.memref_slice %arg7[%dma_wait3A_41] : memref<4864xf32, #tpu.memory_space<vmem>> -> memref<4752xf32, #tpu.memory_space<vmem>>
    %dma_wait3A_43 = arith.constant 0 : i32
    %dma_wait3A_44 = tpu.memref_slice %arg10[%dma_wait3A_43] : memref<10240xf32, #tpu.memory_space<vmem_shared>> -> memref<10240xf32, #tpu.memory_space<vmem_shared>>
    tpu.wait_indirect_dma semaphore(%arg13 : memref<!tpu.dma_semaphore, #tpu.memory_space<semaphore_mem>>) src(%dma_wait3A_42 : memref<4752xf32, #tpu.memory_space<vmem>>) dst(%dma_wait3A_44 : memref<10240xf32, #tpu.memory_space<vmem_shared>>)
    %barrier3A_45 = arith.constant 0 : index
    tpu.barrier barrier_id(%barrier3A_45)
    %mul3A_46 = arith.constant 640 : i32
    %mul3A_47 = arith.muli %arg1, %mul3A_46 : i32
    %mul3A_48 = arith.constant 640 : i32
    %mul3A_49 = arith.muli %arg1, %mul3A_48 : i32
    %run_scoped3A_50 = arith.constant 0 : i32
    "tpu.region"() ({
      %run_scoped3A_51 = tpu.sem_alloc : memref<!tpu.dma_semaphore, #tpu.memory_space<semaphore_mem>>
      %dma_start3A_52 = tpu.memref_slice %arg3[%arg0, %run_scoped3A_50, %mul3A_49] : memref<2x1x10240xf32, #tpu.memory_space<hbm>> -> memref<1x1x640xf32, #tpu.memory_space<hbm>>
      %dma_start3A_53 = tpu.memref_squeeze %dma_start3A_52 : memref<1x1x640xf32, #tpu.memory_space<hbm>> -> memref<640xf32, #tpu.memory_space<hbm>>
      %dma_start3A_54 = tpu.memref_slice %arg10[%mul3A_47] : memref<10240xf32, #tpu.memory_space<vmem_shared>> -> memref<640xf32, #tpu.memory_space<vmem_shared>>
      tpu.enqueue_dma source(%dma_start3A_54 : memref<640xf32, #tpu.memory_space<vmem_shared>>) target(%dma_start3A_53 : memref<640xf32, #tpu.memory_space<hbm>>) target_semaphore(%run_scoped3A_51 : memref<!tpu.dma_semaphore, #tpu.memory_space<semaphore_mem>>)
      %dma_wait3A_55 = tpu.memref_slice %arg3[%arg0, %run_scoped3A_50, %mul3A_49] : memref<2x1x10240xf32, #tpu.memory_space<hbm>> -> memref<1x1x640xf32, #tpu.memory_space<hbm>>
      %dma_wait3A_56 = tpu.memref_squeeze %dma_wait3A_55 : memref<1x1x640xf32, #tpu.memory_space<hbm>> -> memref<640xf32, #tpu.memory_space<hbm>>
      %dma_wait3A_57 = tpu.memref_slice %arg10[%mul3A_47] : memref<10240xf32, #tpu.memory_space<vmem_shared>> -> memref<640xf32, #tpu.memory_space<vmem_shared>>
      tpu.wait_dma2 semaphore(%run_scoped3A_51 : memref<!tpu.dma_semaphore, #tpu.memory_space<semaphore_mem>>) src(%dma_wait3A_57 : memref<640xf32, #tpu.memory_space<vmem_shared>>) dst(%dma_wait3A_56 : memref<640xf32, #tpu.memory_space<hbm>>)
      tpu.yield
    }) : () -> ()
    return
  }
}

module attributes {stable_mosaic.version = 14 : i64} {
  func.func @_mm_body(%arg0: i32, %arg1: memref<5120x128xf32, #tpu.memory_space<vmem>>, %arg2: memref<128x128xf32, #tpu.memory_space<vmem>>, %arg3: memref<5120x128xbf16, #tpu.memory_space<vmem>>) attributes {dimension_semantics = [#tpu.dimension_semantics<arbitrary>], iteration_bounds = array<i64: 2>, scalar_prefetch = 0 : i64, scratch_operands = 0 : i64, tpu.core_type = #tpu.core_type<tc>, window_params = [{transform_indices = @transform_0, window_bounds = array<i64: 5120, 128>}, {pipeline_mode = #tpu.pipeline_mode<synchronous>, transform_indices = @transform_1, window_bounds = array<i64: 128, 128>}, {transform_indices = @transform_2, window_bounds = array<i64: 5120, 128>}]} {
    %get3A = arith.constant 0 : index
    %get3A_0 = arith.constant 0 : index
    %get3A_1 = vector.load %arg1[%get3A, %get3A_0] : memref<5120x128xf32, #tpu.memory_space<vmem>>, vector<5120x128xf32>
    %get3A_2 = arith.constant 0 : index
    %get3A_3 = arith.constant 0 : index
    %get3A_4 = vector.load %arg2[%get3A_2, %get3A_3] : memref<128x128xf32, #tpu.memory_space<vmem>>, vector<128x128xf32>
    %dot_general3A = arith.constant dense<0.000000e+00> : vector<5120x128xf32>
    %dot_general3A_5 = tpu.matmul %get3A_1, %get3A_4, %dot_general3A {dimension_numbers = #tpu.dot_dimension_numbers<[1], [0], [0], [1], [0, 0, 1, 1], [], []>, transpose_lhs_hint = false} : vector<5120x128xf32>, vector<128x128xf32>, vector<5120x128xf32> -> vector<5120x128xf32>
    %mul3A = arith.mulf %dot_general3A_5, %dot_general3A_5 : vector<5120x128xf32>
    %broadcast_in_dim3A = arith.constant 1.000000e+00 : f32
    %broadcast_in_dim3A_6 = vector.broadcast %broadcast_in_dim3A : f32 to vector<128x1xf32>
    %dot_general3A_7 = arith.constant dense<0.000000e+00> : vector<5120x1xf32>
    %dot_general3A_8 = tpu.matmul %mul3A, %broadcast_in_dim3A_6, %dot_general3A_7 {dimension_numbers = #tpu.dot_dimension_numbers<[1], [0], [0], [1], [0, 0, 1, 1], [], []>, transpose_lhs_hint = false} : vector<5120x128xf32>, vector<128x1xf32>, vector<5120x1xf32> -> vector<5120x1xf32>
    %sqrt3A = math.sqrt %dot_general3A_8 : vector<5120x1xf32>
    %add3A = arith.constant 9.99999974E-6 : f32
    %add3A_9 = vector.broadcast %add3A : f32 to vector<5120x1xf32>
    %add3A_10 = arith.addf %sqrt3A, %add3A_9 : vector<5120x1xf32>
    %div3A = arith.divf %sqrt3A, %add3A_10 : vector<5120x1xf32>
    %mul3A_11 = vector.broadcast %div3A : vector<5120x1xf32> to vector<5120x128xf32>
    %mul3A_12 = arith.mulf %dot_general3A_5, %mul3A_11 : vector<5120x128xf32>
    %convert_element_type3A = arith.truncf %mul3A_12 : vector<5120x128xf32> to vector<5120x128xbf16>
    %swap3A = arith.constant 0 : index
    %swap3A_13 = arith.constant 0 : index
    %swap3A_14 = vector.load %arg3[%swap3A, %swap3A_13] : memref<5120x128xbf16, #tpu.memory_space<vmem>>, vector<5120x128xbf16>
    tpu.vector_store %arg3[%swap3A, %swap3A_13], %convert_element_type3A {strides = array<i32>} : memref<5120x128xbf16, #tpu.memory_space<vmem>>, vector<5120x128xbf16>,
    return
  }
  func.func @transform_0(%arg0: i32) -> (i32, i32) {
    %c0_i32 = arith.constant 0 : i32
    %c0_i32_0 = arith.constant 0 : i32
    return %arg0, %c0_i32 : i32, i32
  }
  func.func @transform_1(%arg0: i32) -> (i32, i32) {
    %c0_i32 = arith.constant 0 : i32
    %c0_i32_0 = arith.constant 0 : i32
    %c0_i32_1 = arith.constant 0 : i32
    return %c0_i32, %c0_i32_0 : i32, i32
  }
  func.func @transform_2(%arg0: i32) -> (i32, i32) {
    %c0_i32 = arith.constant 0 : i32
    %c0_i32_0 = arith.constant 0 : i32
    return %arg0, %c0_i32 : i32, i32
  }
}

module attributes {stable_mosaic.version = 14 : i64} {
  func.func @_scale_body(%arg0: i32, %arg1: memref<5120x128xbf16, #tpu.memory_space<vmem>>, %arg2: memref<2x1x5120xf32, #tpu.memory_space<vmem>>, %arg3: memref<32x1x5120xf32, #tpu.memory_space<vmem>>, %arg4: memref<5120x128xf32, #tpu.memory_space<vmem>>) attributes {dimension_semantics = [#tpu.dimension_semantics<arbitrary>], iteration_bounds = array<i64: 2>, scalar_prefetch = 0 : i64, scratch_operands = 0 : i64, tpu.core_type = #tpu.core_type<tc>, window_params = [{transform_indices = @transform_0, window_bounds = array<i64: 5120, 128>}, {transform_indices = @transform_1, window_bounds = array<i64: 2, 1, 5120>}, {transform_indices = @transform_2, window_bounds = array<i64: 32, 1, 5120>}, {transform_indices = @transform_3, window_bounds = array<i64: 5120, 128>}]} {
    %get3A = arith.constant 0 : index
    %get3A_0 = arith.constant 0 : index
    %get3A_1 = arith.constant 0 : index
    %get3A_2 = vector.load %arg2[%get3A, %get3A_0, %get3A_1] : memref<2x1x5120xf32, #tpu.memory_space<vmem>>, vector<1x1x5120xf32>
    %get3A_3 = vector.shape_cast %get3A_2 : vector<1x1x5120xf32> to vector<5120xf32>
    %get3A_4 = arith.constant 1 : index
    %get3A_5 = arith.constant 0 : index
    %get3A_6 = arith.constant 0 : index
    %get3A_7 = vector.load %arg2[%get3A_4, %get3A_5, %get3A_6] : memref<2x1x5120xf32, #tpu.memory_space<vmem>>, vector<1x1x5120xf32>
    %get3A_8 = vector.shape_cast %get3A_7 : vector<1x1x5120xf32> to vector<5120xf32>
    %add3A = arith.addf %get3A_3, %get3A_8 : vector<5120xf32>
    %get3A_9 = arith.constant 0 : index
    %get3A_10 = arith.constant 0 : index
    %get3A_11 = arith.constant 0 : index
    %get3A_12 = vector.load %arg3[%get3A_9, %get3A_10, %get3A_11] : memref<32x1x5120xf32, #tpu.memory_space<vmem>>, vector<1x1x5120xf32>
    %get3A_13 = vector.shape_cast %get3A_12 : vector<1x1x5120xf32> to vector<5120xf32>
    %add3A_14 = arith.addf %add3A, %get3A_13 : vector<5120xf32>
    %get3A_15 = arith.constant 1 : index
    %get3A_16 = arith.constant 0 : index
    %get3A_17 = arith.constant 0 : index
    %get3A_18 = vector.load %arg3[%get3A_15, %get3A_16, %get3A_17] : memref<32x1x5120xf32, #tpu.memory_space<vmem>>, vector<1x1x5120xf32>
    %get3A_19 = vector.shape_cast %get3A_18 : vector<1x1x5120xf32> to vector<5120xf32>
    %add3A_20 = arith.addf %add3A_14, %get3A_19 : vector<5120xf32>
    %get3A_21 = arith.constant 2 : index
    %get3A_22 = arith.constant 0 : index
    %get3A_23 = arith.constant 0 : index
    %get3A_24 = vector.load %arg3[%get3A_21, %get3A_22, %get3A_23] : memref<32x1x5120xf32, #tpu.memory_space<vmem>>, vector<1x1x5120xf32>
    %get3A_25 = vector.shape_cast %get3A_24 : vector<1x1x5120xf32> to vector<5120xf32>
    %add3A_26 = arith.addf %add3A_20, %get3A_25 : vector<5120xf32>
    %get3A_27 = arith.constant 3 : index
    %get3A_28 = arith.constant 0 : index
    %get3A_29 = arith.constant 0 : index
    %get3A_30 = vector.load %arg3[%get3A_27, %get3A_28, %get3A_29] : memref<32x1x5120xf32, #tpu.memory_space<vmem>>, vector<1x1x5120xf32>
    %get3A_31 = vector.shape_cast %get3A_30 : vector<1x1x5120xf32> to vector<5120xf32>
    %add3A_32 = arith.addf %add3A_26, %get3A_31 : vector<5120xf32>
    %get3A_33 = arith.constant 4 : index
    %get3A_34 = arith.constant 0 : index
    %get3A_35 = arith.constant 0 : index
    %get3A_36 = vector.load %arg3[%get3A_33, %get3A_34, %get3A_35] : memref<32x1x5120xf32, #tpu.memory_space<vmem>>, vector<1x1x5120xf32>
    %get3A_37 = vector.shape_cast %get3A_36 : vector<1x1x5120xf32> to vector<5120xf32>
    %add3A_38 = arith.addf %add3A_32, %get3A_37 : vector<5120xf32>
    %get3A_39 = arith.constant 5 : index
    %get3A_40 = arith.constant 0 : index
    %get3A_41 = arith.constant 0 : index
    %get3A_42 = vector.load %arg3[%get3A_39, %get3A_40, %get3A_41] : memref<32x1x5120xf32, #tpu.memory_space<vmem>>, vector<1x1x5120xf32>
    %get3A_43 = vector.shape_cast %get3A_42 : vector<1x1x5120xf32> to vector<5120xf32>
    %add3A_44 = arith.addf %add3A_38, %get3A_43 : vector<5120xf32>
    %get3A_45 = arith.constant 6 : index
    %get3A_46 = arith.constant 0 : index
    %get3A_47 = arith.constant 0 : index
    %get3A_48 = vector.load %arg3[%get3A_45, %get3A_46, %get3A_47] : memref<32x1x5120xf32, #tpu.memory_space<vmem>>, vector<1x1x5120xf32>
    %get3A_49 = vector.shape_cast %get3A_48 : vector<1x1x5120xf32> to vector<5120xf32>
    %add3A_50 = arith.addf %add3A_44, %get3A_49 : vector<5120xf32>
    %get3A_51 = arith.constant 7 : index
    %get3A_52 = arith.constant 0 : index
    %get3A_53 = arith.constant 0 : index
    %get3A_54 = vector.load %arg3[%get3A_51, %get3A_52, %get3A_53] : memref<32x1x5120xf32, #tpu.memory_space<vmem>>, vector<1x1x5120xf32>
    %get3A_55 = vector.shape_cast %get3A_54 : vector<1x1x5120xf32> to vector<5120xf32>
    %add3A_56 = arith.addf %add3A_50, %get3A_55 : vector<5120xf32>
    %get3A_57 = arith.constant 8 : index
    %get3A_58 = arith.constant 0 : index
    %get3A_59 = arith.constant 0 : index
    %get3A_60 = vector.load %arg3[%get3A_57, %get3A_58, %get3A_59] : memref<32x1x5120xf32, #tpu.memory_space<vmem>>, vector<1x1x5120xf32>
    %get3A_61 = vector.shape_cast %get3A_60 : vector<1x1x5120xf32> to vector<5120xf32>
    %add3A_62 = arith.addf %add3A_56, %get3A_61 : vector<5120xf32>
    %get3A_63 = arith.constant 9 : index
    %get3A_64 = arith.constant 0 : index
    %get3A_65 = arith.constant 0 : index
    %get3A_66 = vector.load %arg3[%get3A_63, %get3A_64, %get3A_65] : memref<32x1x5120xf32, #tpu.memory_space<vmem>>, vector<1x1x5120xf32>
    %get3A_67 = vector.shape_cast %get3A_66 : vector<1x1x5120xf32> to vector<5120xf32>
    %add3A_68 = arith.addf %add3A_62, %get3A_67 : vector<5120xf32>
    %get3A_69 = arith.constant 10 : index
    %get3A_70 = arith.constant 0 : index
    %get3A_71 = arith.constant 0 : index
    %get3A_72 = vector.load %arg3[%get3A_69, %get3A_70, %get3A_71] : memref<32x1x5120xf32, #tpu.memory_space<vmem>>, vector<1x1x5120xf32>
    %get3A_73 = vector.shape_cast %get3A_72 : vector<1x1x5120xf32> to vector<5120xf32>
    %add3A_74 = arith.addf %add3A_68, %get3A_73 : vector<5120xf32>
    %get3A_75 = arith.constant 11 : index
    %get3A_76 = arith.constant 0 : index
    %get3A_77 = arith.constant 0 : index
    %get3A_78 = vector.load %arg3[%get3A_75, %get3A_76, %get3A_77] : memref<32x1x5120xf32, #tpu.memory_space<vmem>>, vector<1x1x5120xf32>
    %get3A_79 = vector.shape_cast %get3A_78 : vector<1x1x5120xf32> to vector<5120xf32>
    %add3A_80 = arith.addf %add3A_74, %get3A_79 : vector<5120xf32>
    %get3A_81 = arith.constant 12 : index
    %get3A_82 = arith.constant 0 : index
    %get3A_83 = arith.constant 0 : index
    %get3A_84 = vector.load %arg3[%get3A_81, %get3A_82, %get3A_83] : memref<32x1x5120xf32, #tpu.memory_space<vmem>>, vector<1x1x5120xf32>
    %get3A_85 = vector.shape_cast %get3A_84 : vector<1x1x5120xf32> to vector<5120xf32>
    %add3A_86 = arith.addf %add3A_80, %get3A_85 : vector<5120xf32>
    %get3A_87 = arith.constant 13 : index
    %get3A_88 = arith.constant 0 : index
    %get3A_89 = arith.constant 0 : index
    %get3A_90 = vector.load %arg3[%get3A_87, %get3A_88, %get3A_89] : memref<32x1x5120xf32, #tpu.memory_space<vmem>>, vector<1x1x5120xf32>
    %get3A_91 = vector.shape_cast %get3A_90 : vector<1x1x5120xf32> to vector<5120xf32>
    %add3A_92 = arith.addf %add3A_86, %get3A_91 : vector<5120xf32>
    %get3A_93 = arith.constant 14 : index
    %get3A_94 = arith.constant 0 : index
    %get3A_95 = arith.constant 0 : index
    %get3A_96 = vector.load %arg3[%get3A_93, %get3A_94, %get3A_95] : memref<32x1x5120xf32, #tpu.memory_space<vmem>>, vector<1x1x5120xf32>
    %get3A_97 = vector.shape_cast %get3A_96 : vector<1x1x5120xf32> to vector<5120xf32>
    %add3A_98 = arith.addf %add3A_92, %get3A_97 : vector<5120xf32>
    %get3A_99 = arith.constant 15 : index
    %get3A_100 = arith.constant 0 : index
    %get3A_101 = arith.constant 0 : index
    %get3A_102 = vector.load %arg3[%get3A_99, %get3A_100, %get3A_101] : memref<32x1x5120xf32, #tpu.memory_space<vmem>>, vector<1x1x5120xf32>
    %get3A_103 = vector.shape_cast %get3A_102 : vector<1x1x5120xf32> to vector<5120xf32>
    %add3A_104 = arith.addf %add3A_98, %get3A_103 : vector<5120xf32>
    %get3A_105 = arith.constant 16 : index
    %get3A_106 = arith.constant 0 : index
    %get3A_107 = arith.constant 0 : index
    %get3A_108 = vector.load %arg3[%get3A_105, %get3A_106, %get3A_107] : memref<32x1x5120xf32, #tpu.memory_space<vmem>>, vector<1x1x5120xf32>
    %get3A_109 = vector.shape_cast %get3A_108 : vector<1x1x5120xf32> to vector<5120xf32>
    %add3A_110 = arith.addf %add3A_104, %get3A_109 : vector<5120xf32>
    %get3A_111 = arith.constant 17 : index
    %get3A_112 = arith.constant 0 : index
    %get3A_113 = arith.constant 0 : index
    %get3A_114 = vector.load %arg3[%get3A_111, %get3A_112, %get3A_113] : memref<32x1x5120xf32, #tpu.memory_space<vmem>>, vector<1x1x5120xf32>
    %get3A_115 = vector.shape_cast %get3A_114 : vector<1x1x5120xf32> to vector<5120xf32>
    %add3A_116 = arith.addf %add3A_110, %get3A_115 : vector<5120xf32>
    %get3A_117 = arith.constant 18 : index
    %get3A_118 = arith.constant 0 : index
    %get3A_119 = arith.constant 0 : index
    %get3A_120 = vector.load %arg3[%get3A_117, %get3A_118, %get3A_119] : memref<32x1x5120xf32, #tpu.memory_space<vmem>>, vector<1x1x5120xf32>
    %get3A_121 = vector.shape_cast %get3A_120 : vector<1x1x5120xf32> to vector<5120xf32>
    %add3A_122 = arith.addf %add3A_116, %get3A_121 : vector<5120xf32>
    %get3A_123 = arith.constant 19 : index
    %get3A_124 = arith.constant 0 : index
    %get3A_125 = arith.constant 0 : index
    %get3A_126 = vector.load %arg3[%get3A_123, %get3A_124, %get3A_125] : memref<32x1x5120xf32, #tpu.memory_space<vmem>>, vector<1x1x5120xf32>
    %get3A_127 = vector.shape_cast %get3A_126 : vector<1x1x5120xf32> to vector<5120xf32>
    %add3A_128 = arith.addf %add3A_122, %get3A_127 : vector<5120xf32>
    %get3A_129 = arith.constant 20 : index
    %get3A_130 = arith.constant 0 : index
    %get3A_131 = arith.constant 0 : index
    %get3A_132 = vector.load %arg3[%get3A_129, %get3A_130, %get3A_131] : memref<32x1x5120xf32, #tpu.memory_space<vmem>>, vector<1x1x5120xf32>
    %get3A_133 = vector.shape_cast %get3A_132 : vector<1x1x5120xf32> to vector<5120xf32>
    %add3A_134 = arith.addf %add3A_128, %get3A_133 : vector<5120xf32>
    %get3A_135 = arith.constant 21 : index
    %get3A_136 = arith.constant 0 : index
    %get3A_137 = arith.constant 0 : index
    %get3A_138 = vector.load %arg3[%get3A_135, %get3A_136, %get3A_137] : memref<32x1x5120xf32, #tpu.memory_space<vmem>>, vector<1x1x5120xf32>
    %get3A_139 = vector.shape_cast %get3A_138 : vector<1x1x5120xf32> to vector<5120xf32>
    %add3A_140 = arith.addf %add3A_134, %get3A_139 : vector<5120xf32>
    %get3A_141 = arith.constant 22 : index
    %get3A_142 = arith.constant 0 : index
    %get3A_143 = arith.constant 0 : index
    %get3A_144 = vector.load %arg3[%get3A_141, %get3A_142, %get3A_143] : memref<32x1x5120xf32, #tpu.memory_space<vmem>>, vector<1x1x5120xf32>
    %get3A_145 = vector.shape_cast %get3A_144 : vector<1x1x5120xf32> to vector<5120xf32>
    %add3A_146 = arith.addf %add3A_140, %get3A_145 : vector<5120xf32>
    %get3A_147 = arith.constant 23 : index
    %get3A_148 = arith.constant 0 : index
    %get3A_149 = arith.constant 0 : index
    %get3A_150 = vector.load %arg3[%get3A_147, %get3A_148, %get3A_149] : memref<32x1x5120xf32, #tpu.memory_space<vmem>>, vector<1x1x5120xf32>
    %get3A_151 = vector.shape_cast %get3A_150 : vector<1x1x5120xf32> to vector<5120xf32>
    %add3A_152 = arith.addf %add3A_146, %get3A_151 : vector<5120xf32>
    %get3A_153 = arith.constant 24 : index
    %get3A_154 = arith.constant 0 : index
    %get3A_155 = arith.constant 0 : index
    %get3A_156 = vector.load %arg3[%get3A_153, %get3A_154, %get3A_155] : memref<32x1x5120xf32, #tpu.memory_space<vmem>>, vector<1x1x5120xf32>
    %get3A_157 = vector.shape_cast %get3A_156 : vector<1x1x5120xf32> to vector<5120xf32>
    %add3A_158 = arith.addf %add3A_152, %get3A_157 : vector<5120xf32>
    %get3A_159 = arith.constant 25 : index
    %get3A_160 = arith.constant 0 : index
    %get3A_161 = arith.constant 0 : index
    %get3A_162 = vector.load %arg3[%get3A_159, %get3A_160, %get3A_161] : memref<32x1x5120xf32, #tpu.memory_space<vmem>>, vector<1x1x5120xf32>
    %get3A_163 = vector.shape_cast %get3A_162 : vector<1x1x5120xf32> to vector<5120xf32>
    %add3A_164 = arith.addf %add3A_158, %get3A_163 : vector<5120xf32>
    %get3A_165 = arith.constant 26 : index
    %get3A_166 = arith.constant 0 : index
    %get3A_167 = arith.constant 0 : index
    %get3A_168 = vector.load %arg3[%get3A_165, %get3A_166, %get3A_167] : memref<32x1x5120xf32, #tpu.memory_space<vmem>>, vector<1x1x5120xf32>
    %get3A_169 = vector.shape_cast %get3A_168 : vector<1x1x5120xf32> to vector<5120xf32>
    %add3A_170 = arith.addf %add3A_164, %get3A_169 : vector<5120xf32>
    %get3A_171 = arith.constant 27 : index
    %get3A_172 = arith.constant 0 : index
    %get3A_173 = arith.constant 0 : index
    %get3A_174 = vector.load %arg3[%get3A_171, %get3A_172, %get3A_173] : memref<32x1x5120xf32, #tpu.memory_space<vmem>>, vector<1x1x5120xf32>
    %get3A_175 = vector.shape_cast %get3A_174 : vector<1x1x5120xf32> to vector<5120xf32>
    %add3A_176 = arith.addf %add3A_170, %get3A_175 : vector<5120xf32>
    %get3A_177 = arith.constant 28 : index
    %get3A_178 = arith.constant 0 : index
    %get3A_179 = arith.constant 0 : index
    %get3A_180 = vector.load %arg3[%get3A_177, %get3A_178, %get3A_179] : memref<32x1x5120xf32, #tpu.memory_space<vmem>>, vector<1x1x5120xf32>
    %get3A_181 = vector.shape_cast %get3A_180 : vector<1x1x5120xf32> to vector<5120xf32>
    %add3A_182 = arith.addf %add3A_176, %get3A_181 : vector<5120xf32>
    %get3A_183 = arith.constant 29 : index
    %get3A_184 = arith.constant 0 : index
    %get3A_185 = arith.constant 0 : index
    %get3A_186 = vector.load %arg3[%get3A_183, %get3A_184, %get3A_185] : memref<32x1x5120xf32, #tpu.memory_space<vmem>>, vector<1x1x5120xf32>
    %get3A_187 = vector.shape_cast %get3A_186 : vector<1x1x5120xf32> to vector<5120xf32>
    %add3A_188 = arith.addf %add3A_182, %get3A_187 : vector<5120xf32>
    %get3A_189 = arith.constant 30 : index
    %get3A_190 = arith.constant 0 : index
    %get3A_191 = arith.constant 0 : index
    %get3A_192 = vector.load %arg3[%get3A_189, %get3A_190, %get3A_191] : memref<32x1x5120xf32, #tpu.memory_space<vmem>>, vector<1x1x5120xf32>
    %get3A_193 = vector.shape_cast %get3A_192 : vector<1x1x5120xf32> to vector<5120xf32>
    %add3A_194 = arith.addf %add3A_188, %get3A_193 : vector<5120xf32>
    %get3A_195 = arith.constant 31 : index
    %get3A_196 = arith.constant 0 : index
    %get3A_197 = arith.constant 0 : index
    %get3A_198 = vector.load %arg3[%get3A_195, %get3A_196, %get3A_197] : memref<32x1x5120xf32, #tpu.memory_space<vmem>>, vector<1x1x5120xf32>
    %get3A_199 = vector.shape_cast %get3A_198 : vector<1x1x5120xf32> to vector<5120xf32>
    %add3A_200 = arith.addf %add3A_194, %get3A_199 : vector<5120xf32>
    %sqrt3A = math.sqrt %add3A_200 : vector<5120xf32>
    %reshape3A = vector.shape_cast %sqrt3A : vector<5120xf32> to vector<5120x1xf32>
    %get3A_201 = arith.constant 0 : index
    %get3A_202 = arith.constant 0 : index
    %get3A_203 = vector.load %arg1[%get3A_201, %get3A_202] : memref<5120x128xbf16, #tpu.memory_space<vmem>>, vector<5120x128xbf16>
    %convert_element_type3A = arith.extf %get3A_203 : vector<5120x128xbf16> to vector<5120x128xf32>
    %mul3A = vector.broadcast %reshape3A : vector<5120x1xf32> to vector<5120x128xf32>
    %mul3A_204 = arith.mulf %convert_element_type3A, %mul3A : vector<5120x128xf32>
    %swap3A = arith.constant 0 : index
    %swap3A_205 = arith.constant 0 : index
    %swap3A_206 = vector.load %arg4[%swap3A, %swap3A_205] : memref<5120x128xf32, #tpu.memory_space<vmem>>, vector<5120x128xf32>
    tpu.vector_store %arg4[%swap3A, %swap3A_205], %mul3A_204 {strides = array<i32>} : memref<5120x128xf32, #tpu.memory_space<vmem>>, vector<5120x128xf32>,
    return
  }
  func.func @transform_0(%arg0: i32) -> (i32, i32) {
    %c0_i32 = arith.constant 0 : i32
    %c0_i32_0 = arith.constant 0 : i32
    return %arg0, %c0_i32 : i32, i32
  }
  func.func @transform_1(%arg0: i32) -> (i32, i32, i32) {
    %c0_i32 = arith.constant 0 : i32
    %c0_i32_0 = arith.constant 0 : i32
    %c0_i32_1 = arith.constant 0 : i32
    return %c0_i32, %c0_i32_0, %arg0 : i32, i32, i32
  }
  func.func @transform_2(%arg0: i32) -> (i32, i32, i32) {
    %c0_i32 = arith.constant 0 : i32
    %c0_i32_0 = arith.constant 0 : i32
    %c0_i32_1 = arith.constant 0 : i32
    return %c0_i32, %c0_i32_0, %arg0 : i32, i32, i32
  }
  func.func @transform_3(%arg0: i32) -> (i32, i32) {
    %c0_i32 = arith.constant 0 : i32
    %c0_i32_0 = arith.constant 0 : i32
    return %arg0, %c0_i32 : i32, i32
  }
}

</mosaic_0001>

<sc_bundles>
// kernel: kernel.5.cloned.1.call-start
scs
__scs_entry_jumppad:
0x0: {  	(pc) =	sbr.rel $0x88, $3  }
0x1: {  	(tag) =	ssettag $0x0;
	lr =	simm.s32 $0x1  }
0x2: {  	[smem:$0x3F9E] =	sst lr;
	_ =	strace $0xD0000000  }
0x3: {  	_ = 	snop  }
0x4: {  	_ = 	snop  }
0x5: {  	_ = 	snop  }
0x6: {  	_ = 	snop  }
0x7: {  	_ = 	snop  }
__scs_overlays_trampoline_lowered:
0x8: {  	[smem:$0x3FAD] =	sst s0  }
0x9: {  	[smem:$0x3FAE] =	sst s1  }
0xa: {  	[smem:$0x3FAF] =	sst s2  }
0xb: {  	[smem:$0x3FB0] =	sst s3  }
0xc: {  	[smem:$0x3FB1] =	sst s4  }
0xd: {  	[smem:$0x3FB2] =	sst s5  }
0xe: {  	[smem:$0x3FB3] =	sst s6  }
0xf: {  	[smem:$0x3FB4] =	sst s7  }
0x10: {  	[smem:$0x3FB5] =	sst s8  }
0x11: {  	[smem:$0x3FB6] =	sst s9;
	s0 =	simm.s32 @!p0 $0x0  }
0x12: {  	s1 =	sld [smem:$0x3F9C];
	s0 =	simm.s32 @p0 $0x1  }
0x13: {  	[smem:$0x3FB7] =	sst s0;
	s0 =	simm.s32 @!p1 $0x0  }
0x14: {  	s2 =	sld [smem:$0x3F9B];
	s0 =	simm.s32 @p1 $0x1  }
0x15: {  	[smem:$0x3FB8] =	sst s0;
	s0 =	simm.s32 @!p2 $0x0  }
0x16: {  	s3 =	sld [smem:$0x3FDB];
	s0 =	simm.s32 @p2 $0x1  }
0x17: {  	s4 =	simm.s32 $0x1BF5;
	[smem:$0x3FBA] =	sst s0  }
0x18: {  	s0 =	sld [smem:$0x3F9D];
	_ =	swait.ge [sflag:s4], $0x0  }
0x19: {  	s7 =	sld [smem:$0x3F9E]  }
0x1a: {  	s8 =	sadd.s32 $0xFFFFE003, lr  }
0x1b: {  	s9 =	sadd.s32 $0xFFFFFEF7, lr;
	s5 =	simm.s32 $0xFFFFFFFF;
	p2 =	slt.u32 s8, $0xFFFFF086  }
0x1c: {  	p1 =	slt.u32 s9, $0xF7A;
	s5 =	simm.s32 @!p2 $0x0  }
0x1d: {  	s5 =	simm.s32 @p1 $0x1;
	p0 =	seq.s32 s7, s2  }
0x1e: {  	s7 =	smul.u32 @!p0 $0xF7A, s2;
	p2 =	seq.s32 @!p0 s5, $0x0  }
0x1f: {  	s9 =	smul.u32 $0xF7A, s1;
	s8 =	simm.s32 @!p0 $0x1BF5;
	p2 =	por !p2, p0  }
0x20: {  	[sflag:s8] =	ssyncset.s32 @!p0 $0xFFFFF086;
	s6 =	sadd.s32 @!p0 s3, s7;
	s7 =	simm.s32 @!p0 $0x108  }
0x21: {  	s3 =	sadd.s32 s3, s9;
	s6 =	sadd.s32 @!p0 $0x88, s6;
	s7 =	simm.s32 @p2 $0x1082  }
0x22: {  	[simem:s7], [sflag:s8] =	dma.local @!p0 [hbm:s6], $0xF7A  }
0x23: {  	s9 =	sor.u32 $0xD0000000, s2;
	s6 =	simm.s32 $0x108;
	_ =	swait.ge @!p0 [sflag:s8], $0x0  }
0x24: {  	s3 =	sadd.s32 $0x88, s3;
	s6 =	simm.s32 @!p1 $0x1082;
	[sflag:s4] =	ssyncset.s32 $0xFFFFF086  }
0x25: {  	[simem:s6], [sflag:s4] =	dma.local [hbm:s3], $0xF7A  }
0x26: {  	[smem:$0x3F9E] =	sst s1;
	(tag) =	ssettag s2;
	_ =	strace s9  }
0x27: {  	s1 =	sld [smem:$0x3FAE]  }
0x28: {  	s2 =	sld [smem:$0x3FAF]  }
0x29: {  	s4 =	sld [smem:$0x3FB1]  }
0x2a: {  	p0 =	seq.s32 s5, $0x0;
	s5 =	sld [smem:$0x3FB2]  }
0x2b: {  	s6 =	sld [smem:$0x3FB3]  }
0x2c: {  	s7 =	sld [smem:$0x3FB4]  }
0x2d: {  	s3 =	simm.s32 $0x108;
	s8 =	sld [smem:$0x3FB5]  }
0x2e: {  	s3 =	simm.s32 @!p0 $0x1082;
	s9 =	sld [smem:$0x3FB6]  }
0x2f: {  	lr =	sadd.s32 s0, s3;
	s0 =	sld [smem:$0x3FAD]  }
0x30: {  	s3 =	sld [smem:$0x3FB0]  }
0x31: {  	[smem:$0x3FB9] =	sst s10  }
0x32: {  	s10 =	sld [smem:$0x3FB7];
	_ =	sdelay $0x3  }
0x33: {  	p0 =	seq.s32 s10, $0x1;
	s10 =	sld [smem:$0x3FB9];
	_ =	sdelay $0x3  }
0x34: {  	[smem:$0x3FB9] =	sst s10  }
0x35: {  	s10 =	sld [smem:$0x3FB8];
	_ =	sdelay $0x3  }
0x36: {  	p1 =	seq.s32 s10, $0x1;
	s10 =	sld [smem:$0x3FB9];
	_ =	sdelay $0x3  }
0x37: {  	[smem:$0x3FB9] =	sst s10  }
0x38: {  	s10 =	sld [smem:$0x3FBA]  }
0x39: {  	_ = 	snop;
	(pc) =	sbr.ind lr, $3  }
0x3a: {  	_ = 	snop  }
0x3b: {  	_ = 	snop  }
0x3c: {  	p2 =	seq.s32 s10, $0x1;
	s10 =	sld [smem:$0x3FB9]  }
0x3d: {  	_ =	shalt  }
0x3e: {  	_ =	shalt  }
0x3f: {  	_ =	shalt  }
0x40: {  	_ =	shalt  }
0x41: {  	_ =	shalt  }
0x42: {  	_ =	shalt  }
0x43: {  	_ =	shalt  }
0x44: {  	_ =	shalt  }
0x45: {  	_ =	shalt  }
0x46: {  	_ =	shalt  }
0x47: {  	_ =	shalt  }
0x48: {  	_ =	shalt  }
0x49: {  	_ =	shalt  }
0x4a: {  	_ =	shalt  }
0x4b: {  	_ =	shalt  }
0x4c: {  	_ =	shalt  }
0x4d: {  	_ =	shalt  }
0x4e: {  	_ =	shalt  }
0x4f: {  	_ =	shalt  }
0x50: {  	_ =	shalt  }
0x51: {  	_ =	shalt  }
0x52: {  	_ =	shalt  }
0x53: {  	_ =	shalt  }
0x54: {  	_ =	shalt  }
0x55: {  	_ =	shalt  }
0x56: {  	_ =	shalt  }
0x57: {  	_ =	shalt  }
0x58: {  	_ =	shalt  }
0x59: {  	_ =	shalt  }
0x5a: {  	_ =	shalt  }
0x5b: {  	_ =	shalt  }
0x5c: {  	_ =	shalt  }
0x5d: {  	_ =	shalt  }
0x5e: {  	_ =	shalt  }
0x5f: {  	_ =	shalt  }
0x60: {  	_ =	shalt  }
0x61: {  	_ =	shalt  }
0x62: {  	_ =	shalt  }
0x63: {  	_ =	shalt  }
0x64: {  	_ =	shalt  }
0x65: {  	_ =	shalt  }
0x66: {  	_ =	shalt  }
0x67: {  	_ =	shalt  }
0x68: {  	_ =	shalt  }
0x69: {  	_ =	shalt  }
0x6a: {  	_ =	shalt  }
0x6b: {  	_ =	shalt  }
0x6c: {  	_ =	shalt  }
0x6d: {  	_ =	shalt  }
0x6e: {  	_ =	shalt  }
0x6f: {  	_ =	shalt  }
0x70: {  	_ =	shalt  }
0x71: {  	_ =	shalt  }
0x72: {  	_ =	shalt  }
0x73: {  	_ =	shalt  }
0x74: {  	_ =	shalt  }
0x75: {  	_ =	shalt  }
0x76: {  	_ =	shalt  }
0x77: {  	_ =	shalt  }
0x78: {  	_ =	shalt  }
0x79: {  	_ =	shalt  }
0x7a: {  	_ =	shalt  }
0x7b: {  	_ =	shalt  }
0x7c: {  	_ =	shalt  }
0x7d: {  	_ =	shalt  }
0x7e: {  	_ =	shalt  }
0x7f: {  	_ =	shalt  }
0x80: {  	_ =	shalt  }
0x81: {  	_ =	shalt  }
0x82: {  	_ =	shalt  }
0x83: {  	_ =	shalt  }
0x84: {  	_ =	shalt  }
0x85: {  	_ =	shalt  }
0x86: {  	_ =	shalt  }
0x87: {  	_ =	shalt  }
.Lfunc_end0:
.L_simem_size_0:
called_computation_lowered:
.L_overlay_start_0:
0x88: {  	s2 =	sld [smem:$0x3FD9]  }
0x89: {  	s3 =	sld [smem:$0x3FFE];
	_ =	sdelay $0x1  }
0x8a: {  	s1 =	srdreg.scid  }
0x8b: {  	s0 =	sand.u32 $0x1, s1  }
0x8c: {  	s17 =	sshll.u32 s0, $0xA;
	s2 =	sadd.s32 s3, s2  }
0x8d: {  	s2 =	sadd.s32 s2, s17  }
0x8e: {  	[smem:$0x3FC5] =	sst s2  }
0x8f: {  	_ = 	snop  }
0x90: {  	s2 =	sld [smem:$0x3FC8]  }
0x91: {  	s18 =	sld [smem:$0x3FD0];
	(tm) =	ssettm $0x1  }
0x92: {  	s4 =	sld [smem:$0x3FFB];
	_ =	sdelay $0x3  }
0x93: {  	_ =	strace s4  }
0x94: {  	s4 =	sld [smem:$0x3FFC];
	_ =	sdelay $0x3  }
0x95: {  	_ =	strace s4  }
0x96: {  	s4 =	sld [smem:$0x3FFD];
	_ =	sdelay $0x3  }
0x97: {  	_ =	strace s4  }
0x98: {  	_ =	strace $0x8FFFFFFF  }
0x99: {  	s19 =	sld [smem:$0x3FDB];
	_ =	sdelay $0x1  }
0x9a: {  	s5 =	simm.s32 $_scs_section_size  }
0x9b: {  	s6 =	simm.s32 $_size__tile_overlayer_lowered;
	s7 =	simm.s32 $_tile_overlayer_lowered  }
0x9c: {  	s22 =	simm.s32 $0x1BFF;
	s21 =	sshll.u32 s7, $0x1;
	s4 =	sadd.s32 s5, s19  }
0x9d: {  	s8 =	simm.s32 $0x0;
	s20 =	sshll.u32 s6, $0x1;
	s6 =	sadd.s32 s21, s4  }
0x9e: {  	[timem:s8], [sflag:s22] =	dma.local [hbm:s6], s20  }
0x9f: {  	_ =	swait.ge [sflag:s22], s20  }
0xa0: {  	s5 =	ssub.s32 $0x0, s20;
	[sflag:s22] =	ssyncset.done $0x0  }
0xa1: {  	[sflag:s22] =	ssyncadd.s32 s5;
	_ =	sdelay $0x1  }
0xa2: {  	s23 =	simm.s32 $0x1B8B  }
0xa3: {  	_ =	swait.ge [sflag:s23], $0x1  }
0xa4: {  	[sflag:s23] =	ssyncset.done $0x0  }
0xa5: {  	s25 =	simm.s32 $0x1B8E;
	s24 =	sld [smem:$0x3FFE];
	[sflag:s23] =	ssyncadd.s32 $0xFFFFFFFF  }
0xa6: {  	s26 =	simm.s32 $execute0_lowered;
	[smem:$0x3FD2] =	sst s25  }
0xa7: {  	s6 =	sshll.u32 s26, $0x1;
	_ =	strace $0x80000046;
	[dreg:$0x1] =	wrdreg $0xFFFFFFFF  }
0xa8: {  	s28 =	simm.s32 $_size_execute0_lowered;
	s4 =	sadd.s32 s4, s6;
	[dreg:$0x0] =	wrdreg $0x0  }
0xa9: {  	s6 =	sshll.u32 s28, $0x1;
	[dreg:$0x2] =	wrdreg s4  }
0xaa: {  	[dreg:$0x3] =	wrdreg s6  }
0xab: {  	[dreg:$0x4] =	wrdreg $0xC0  }
0xac: {  	_ =	task [dreg:s8], $0x5FFFF  }
0xad: {  	[dreg:$0x1] =	wrdreg $0xFFFFFFFF  }
0xae: {  	[dreg:$0x0] =	wrdreg $0x60  }
0xaf: {  	[dreg:$0x2] =	wrdreg s2  }
0xb0: {  	[dreg:$0x3] =	wrdreg s24  }
0xb1: {  	[dreg:$0x4] =	wrdreg s18  }
0xb2: {  	[dreg:$0x5] =	wrdreg $0x65000  }
0xb3: {  	[dreg:$0x6] =	wrdreg $0x9  }
0xb4: {  	_ =	task.clear_ibuf [dreg:s8], $0x7FFFF;
	_ =	strace $0x90000046  }
0xb5: {  	s29 =	simm.s32 $0x9;
	_ =	strace $0x80000048  }
0xb6: {  	_ =	swait.ge [sflag:s29], $0x1  }
0xb7: {  	[sflag:s29] =	ssyncadd.s32 $0xFFFFFFFF  }
0xb8: {  	_ =	strace $0x90000048  }
0xb9: {  	_ =	sfence  }
0xba: {  	s30 =	sld [smem:$0x0];
	_ =	sdelay $0x2  }
0xbb: {  	s31 =	sshll.u32 s1, $0xD;
	s1 =	sshrl.u32 s1, $0x2  }
0xbc: {  	s3 =	sand.u32 $0x4000, s31;
	s1 =	sadd.s32 s1, s30  }
0xbd: {  	s0 =	sor.u32 s3, s0;
	s1 =	sshll.u32 s1, $0x11  }
0xbe: {  	s0 =	sor.u32 s1, s0  }
0xbf: {  	s0 =	sadd.s32 $0x8F2B, s0  }
0xc0: {  	[sflag:s0] =	ssyncadd.remote.s32 $0x1  }
0xc1: {  	_ =	sfence.sel $0xFFFF  }
0xc2: {  	[dreg:$0x0] =	wrdreg $0xFFFFFFFF;
	(pc) =	sbr.abs _section_cstart, $3  }
0xc3: {  	[dreg:$0x1] =	wrdreg $0xFFFFFFFF  }
0xc4: {  	_ =	task.clear_ibuf [dreg:s8], $0x2FFFF;
	_ =	strace $0x9FFFFFFF  }
0xc5: {  	(tm) =	ssettm $0x7FFFFFFF  }
tec
execute0_lowered:
.L_overlay_start_1:
0x0: {  	(tag) =	ssettag $0x1  }
0x1: {  	s4 =	rddreg [dreg:$0x0]  }
0x2: {  	s5 =	rddreg [dreg:$0x1]  }
0x3: {  	s1 =	srdreg.scid;
	s7 =	rddreg [dreg:$0x2]  }
0x4: {  	s0 =	stileid.u32;
	s2 =	rddreg [dreg:$0x3];
	s3 =	simm.s32 $0x0  }
0x5: {  	s13 =	simm.s32 $0x2;
	s14 =	simm.s32 $0x1290;
	s15 =	simm.s32 $0x2780  }
0x6: {  	s16 =	simm.s32 $0x1;
	s17 =	simm.s32 $0x3D00;
	s18 =	simm.s32 $0x3  }
0x7: {  	s19 =	simm.s32 $0x0;
	s6 =	sand.u32 $0x1, s1;
	s1 =	rddreg [dreg:$0x4]  }
0x8: {  	s8 =	smul.u32 $0x280, s0;
	s10 =	sshll.u32 s0, $0x1;
	[smem:$0x7FF] =	sst s3  }
0x9: {  	s9 =	smul.u32 $0x2800, s6;
	s10 =	sor.u32 s6, s10;
	s6 =	ssub.s32 $0x2, s6  }
0xa: {  	_ =	strace $0x80000047;
	s11 =	smul.u32 $0x2710, s10;
	s12 =	sshrl.u32 s6, $0x1  }
0xb: {  	s10 =	smul.u32 $0x500, s10;
	s9 =	sadd.s32 s8, s9;
	s12 =	ssub.s32 s6, s12  }
0xc: {  	s6 =	sadd.s32 s8, s2;
	s9 =	sshrl.u32 s9, $0x3;
	s11 =	sshrl.u32 s11, $0x3  }
0xd: {  	s7 =	sadd.s32 s7, s10;
	s10 =	simm.s32 $0x1480;
	s4 =	sadd.s32 s4, s11  }
0xe: {  	s9 =	sadd.s32 s9, s5;
	s11 =	simm.s32 $0x3A80;
	s5 =	sadd.s32 $0x290, s4  }
0xf: {  	v0 =	vimm.f32 $1.000000000e+00;
	v1 =	vimm.f32 $0.0e+00;
	s8 =	sadd.s32 $0x1000, s9;
	s9 =	smax.u32 s12, $0x1;
	s12 =	simm.s32 $0x4  }
.LBB2_1:
0x10: {  	[tilespmem:s3], [sflag:$0x1] =	stream.linear.gather [hbm4b:s4+s3], $0x1480, $0x38;
	[tilespmem:$0x6780] =	vst v63  }
0x11: {  	s20 =	simm.s32 $0x0;
	s21 =	simm.s32 $0x400  }
0x12: {  	[tilespmem:s10], [sflag:$0x2] =	stream.linear.gather [hbm4b:s5+s3], $0x1290, $0x38;
	[tilespmem:$0x6780] =	vst v63  }
.LBB2_2:
0x13: {  	p0 =	sne.s32 s21, $0x4800;
	[tilespmem:s20+$0x2870] =	vst v0  }
0x14: {  	[tilespmem:s20+$0x2780] =	vst v0  }
0x15: {  	[tilespmem:s20+$0x2790] =	vst v0  }
0x16: {  	[tilespmem:s20+$0x27A0] =	vst v0  }
0x17: {  	[tilespmem:s20+$0x27B0] =	vst v0  }
0x18: {  	[tilespmem:s20+$0x27C0] =	vst v0  }
0x19: {  	[tilespmem:s20+$0x27D0] =	vst v0  }
0x1a: {  	[tilespmem:s20+$0x27E0] =	vst v0  }
0x1b: {  	[tilespmem:s20+$0x27F0] =	vst v0  }
0x1c: {  	[tilespmem:s20+$0x2800] =	vst v0  }
0x1d: {  	[tilespmem:s20+$0x2810] =	vst v0  }
.Ltmp0:
0x1e: {  	[tilespmem:s20+$0x2820] =	vst v0;
	(pc) =	sbr.rel @p0 .LBB2_2-.Ltmp0, $4  }
0x1f: {  	[tilespmem:s20+$0x2830] =	vst v0  }
0x20: {  	[tilespmem:s20+$0x2840] =	vst v0  }
0x21: {  	[tilespmem:s20+$0x2850] =	vst v0  }
0x22: {  	[tilespmem:s20+$0x2860] =	vst v0;
	s20 =	sshra.s32 s21, $0x2;
	s21 =	sadd.s32 $0x400, s21  }
0x23: {  	[tilespmem:s20+$0x2870] =	vst v0  }
0x24: {  	[tilespmem:s20+$0x2780] =	vst v0  }
0x25: {  	[tilespmem:s20+$0x2790] =	vst v0  }
0x26: {  	[tilespmem:s20+$0x27A0] =	vst v0  }
0x27: {  	[tilespmem:s20+$0x27B0] =	vst v0  }
0x28: {  	[tilespmem:s20+$0x27C0] =	vst v0  }
0x29: {  	[tilespmem:s20+$0x27D0] =	vst v0  }
0x2a: {  	[tilespmem:s20+$0x27E0] =	vst v0  }
0x2b: {  	[tilespmem:s20+$0x27F0] =	vst v0  }
0x2c: {  	[tilespmem:s20+$0x2800] =	vst v0  }
0x2d: {  	[tilespmem:s20+$0x2810] =	vst v0  }
0x2e: {  	[tilespmem:s20+$0x2820] =	vst v0  }
0x2f: {  	[tilespmem:s20+$0x2830] =	vst v0  }
0x30: {  	[tilespmem:s20+$0x2840] =	vst v0  }
0x31: {  	[tilespmem:s20+$0x2850] =	vst v0  }
0x32: {  	[tilespmem:s20+$0x2860] =	vst v0;
	s20 =	simm.s32 $0x0;
	s21 =	simm.s32 $0x400  }
.LBB2_4:
0x33: {  	p0 =	sne.s32 s21, $0x9C00;
	[tilespmem:s20+$0x3DF0] =	vst v1  }
0x34: {  	[tilespmem:s20+$0x3D00] =	vst v1  }
0x35: {  	[tilespmem:s20+$0x3D10] =	vst v1  }
0x36: {  	[tilespmem:s20+$0x3D20] =	vst v1  }
0x37: {  	[tilespmem:s20+$0x3D30] =	vst v1  }
0x38: {  	[tilespmem:s20+$0x3D40] =	vst v1  }
0x39: {  	[tilespmem:s20+$0x3D50] =	vst v1  }
0x3a: {  	[tilespmem:s20+$0x3D60] =	vst v1  }
0x3b: {  	[tilespmem:s20+$0x3D70] =	vst v1  }
0x3c: {  	[tilespmem:s20+$0x3D80] =	vst v1  }
0x3d: {  	[tilespmem:s20+$0x3D90] =	vst v1  }
.Ltmp1:
0x3e: {  	[tilespmem:s20+$0x3DA0] =	vst v1;
	(pc) =	sbr.rel @p0 .LBB2_4-.Ltmp1, $4  }
0x3f: {  	[tilespmem:s20+$0x3DB0] =	vst v1  }
0x40: {  	[tilespmem:s20+$0x3DC0] =	vst v1  }
0x41: {  	[tilespmem:s20+$0x3DD0] =	vst v1  }
0x42: {  	[tilespmem:s20+$0x3DE0] =	vst v1;
	s20 =	sshra.s32 s21, $0x2;
	s21 =	sadd.s32 $0x400, s21  }
0x43: {  	[tilespmem:s20+$0x3DF0] =	vst v1  }
0x44: {  	[tilespmem:s20+$0x3D00] =	vst v1  }
0x45: {  	[tilespmem:s20+$0x3D10] =	vst v1  }
0x46: {  	[tilespmem:s20+$0x3D20] =	vst v1  }
0x47: {  	[tilespmem:s20+$0x3D30] =	vst v1  }
0x48: {  	[tilespmem:s20+$0x3D40] =	vst v1  }
0x49: {  	[tilespmem:s20+$0x3D50] =	vst v1  }
0x4a: {  	[tilespmem:s20+$0x3D60] =	vst v1  }
0x4b: {  	[tilespmem:s20+$0x3D70] =	vst v1  }
0x4c: {  	[tilespmem:s20+$0x3D80] =	vst v1  }
0x4d: {  	[tilespmem:s20+$0x3D90] =	vst v1  }
0x4e: {  	[tilespmem:s20+$0x3DA0] =	vst v1  }
0x4f: {  	[tilespmem:s20+$0x3DB0] =	vst v1  }
0x50: {  	[tilespmem:s20+$0x3DC0] =	vst v1  }
0x51: {  	[tilespmem:s20+$0x3DD0] =	vst v1  }
0x52: {  	[tilespmem:s20+$0x3DE0] =	vst v1  }
0x53: {  	[tilespmem:$0x3A80] =	vst v1  }
0x54: {  	[tilespmem:$0x3A90] =	vst v1  }
0x55: {  	[tilespmem:$0x3AA0] =	vst v1  }
0x56: {  	[tilespmem:$0x3AB0] =	vst v1  }
0x57: {  	[tilespmem:$0x3AC0] =	vst v1  }
0x58: {  	[tilespmem:$0x3AD0] =	vst v1  }
0x59: {  	[tilespmem:$0x3AE0] =	vst v1  }
0x5a: {  	[tilespmem:$0x3AF0] =	vst v1  }
0x5b: {  	[tilespmem:$0x3B00] =	vst v1  }
0x5c: {  	[tilespmem:$0x3B10] =	vst v1  }
0x5d: {  	[tilespmem:$0x3B20] =	vst v1  }
0x5e: {  	[tilespmem:$0x3B30] =	vst v1  }
0x5f: {  	[tilespmem:$0x3B40] =	vst v1  }
0x60: {  	[tilespmem:$0x3B50] =	vst v1  }
0x61: {  	[tilespmem:$0x3B60] =	vst v1  }
0x62: {  	[tilespmem:$0x3B70] =	vst v1  }
0x63: {  	[tilespmem:$0x3B80] =	vst v1  }
0x64: {  	[tilespmem:$0x3B90] =	vst v1  }
0x65: {  	[tilespmem:$0x3BA0] =	vst v1  }
0x66: {  	[tilespmem:$0x3BB0] =	vst v1  }
0x67: {  	[tilespmem:$0x3BC0] =	vst v1  }
0x68: {  	[tilespmem:$0x3BD0] =	vst v1  }
0x69: {  	[tilespmem:$0x3BE0] =	vst v1  }
0x6a: {  	[tilespmem:$0x3BF0] =	vst v1  }
0x6b: {  	[tilespmem:$0x3C00] =	vst v1  }
0x6c: {  	[tilespmem:$0x3C10] =	vst v1  }
0x6d: {  	[tilespmem:$0x3C20] =	vst v1  }
0x6e: {  	[tilespmem:$0x3C30] =	vst v1  }
0x6f: {  	[tilespmem:$0x3C40] =	vst v1  }
0x70: {  	[tilespmem:$0x3C50] =	vst v1  }
0x71: {  	[tilespmem:$0x3C60] =	vst v1  }
0x72: {  	[tilespmem:$0x3C70] =	vst v1  }
0x73: {  	[tilespmem:$0x3C80] =	vst v1  }
0x74: {  	[tilespmem:$0x3C90] =	vst v1  }
0x75: {  	[tilespmem:$0x3CA0] =	vst v1  }
0x76: {  	[tilespmem:$0x3CB0] =	vst v1  }
0x77: {  	[tilespmem:$0x3CC0] =	vst v1  }
0x78: {  	[tilespmem:$0x3CD0] =	vst v1  }
0x79: {  	[tilespmem:$0x3CE0] =	vst v1  }
0x7a: {  	[tilespmem:$0x3CF0] =	vst v1  }
0x7b: {  	[spmem:s6] =	stream.linear.scatter [tilespmem:s11], [sflag:$0x4], $0x280, $0x38;
	[tilespmem:$0x6780] =	vst v63  }
0x7c: {  	_ =	swait.ge [sflag:s12], $0x280  }
0x7d: {  	[sflag:s12] =	ssyncset.done $0x0  }
0x7e: {  	[sflag:s12] =	ssyncadd.s32 $0xFFFFFD80  }
0x7f: {  	_ =	swait.ge [sflag:s13], $0x1290  }
0x80: {  	[sflag:s13] =	ssyncset.done $0x0  }
0x81: {  	[sflag:s13] =	ssyncadd.s32 $0xFFFFED70  }
0x82: {  	[bflag:$0x0] =	sbarrier.arrive $0xFFFF  }
0x83: {  	[spmem:s2] =	stream.indirect.scatter.add.f32 [tilespmem:s15], [sflag:$0x3], $0x1, s10, s14, $0xb8;
	[tilespmem:$0x6780] =	vst v63  }
0x84: {  	_ =	swait.ge [sflag:s16], $0x1480  }
0x85: {  	[sflag:s16] =	ssyncset.done $0x0  }
0x86: {  	s20 =	simm.s32 $0x0;
	[sflag:s16] =	ssyncadd.s32 $0xFFFFEB80  }
.LBB2_6:
0x87: {  	s21 =	sshra.s32 s20, $0x2  }
0x88: {  	v2 =	vld [tilespmem:s21+$0x0];
	_ =	sdelay $0x7  }
0x89: {  	[tilespmem:v2+s17+$0x0] =	vst.idx.add.f32.msk $0xffff, v0  }
0x8a: {  	v2 =	vld [tilespmem:s21+$0x10];
	_ =	sdelay $0x7  }
0x8b: {  	[tilespmem:v2+s17+$0x0] =	vst.idx.add.f32.msk $0xffff, v0  }
0x8c: {  	v2 =	vld [tilespmem:s21+$0x20];
	_ =	sdelay $0x7  }
0x8d: {  	[tilespmem:v2+s17+$0x0] =	vst.idx.add.f32.msk $0xffff, v0  }
0x8e: {  	v2 =	vld [tilespmem:s21+$0x30];
	_ =	sdelay $0x7  }
0x8f: {  	[tilespmem:v2+s17+$0x0] =	vst.idx.add.f32.msk $0xffff, v0  }
0x90: {  	v2 =	vld [tilespmem:s21+$0x40];
	_ =	sdelay $0x7  }
0x91: {  	[tilespmem:v2+s17+$0x0] =	vst.idx.add.f32.msk $0xffff, v0  }
0x92: {  	v2 =	vld [tilespmem:s21+$0x50];
	_ =	sdelay $0x7  }
0x93: {  	[tilespmem:v2+s17+$0x0] =	vst.idx.add.f32.msk $0xffff, v0  }
0x94: {  	v2 =	vld [tilespmem:s21+$0x60];
	_ =	sdelay $0x7  }
0x95: {  	[tilespmem:v2+s17+$0x0] =	vst.idx.add.f32.msk $0xffff, v0  }
0x96: {  	v2 =	vld [tilespmem:s21+$0x70];
	_ =	sdelay $0x2  }
0x97: {  	p0 =	sne.s32 s20, $0x5000  }
.Ltmp2:
0x98: {  	_ = 	snop;
	(pc) =	sbr.rel @p0 .LBB2_6-.Ltmp2, $2  }
0x99: {  	_ =	sdelay $0x2  }
0x9a: {  	s20 =	sadd.s32 $0x200, s20;
	[tilespmem:v2+s17+$0x0] =	vst.idx.add.f32.msk $0xffff, v0  }
0x9b: {  	[hbm4b:s7+s3] =	stream.linear.scatter [tilespmem:s17], [sflag:$0x4], $0x2800, $0x38;
	[tilespmem:$0x6780] =	vst v63  }
0x9c: {  	_ =	swait.ge [sflag:s12], $0x2800  }
0x9d: {  	[sflag:s12] =	ssyncset.done $0x0  }
0x9e: {  	[sflag:s12] =	ssyncadd.s32 $0xFFFFD800  }
0x9f: {  	_ =	swait.ge [sflag:s18], $0x1290  }
0xa0: {  	s20 =	sshll.u32 s0, $0x6;
	s19 =	sadd.s32 $0x1, s19;
	[sflag:s18] =	ssyncset.done $0x0  }
0xa1: {  	s21 =	sshrl.u32 s6, $0x3;
	p0 =	sne.s32 s19, s9;
	[sflag:s18] =	ssyncadd.s32 $0xFFFFED70  }
.Ltmp3:
0xa2: {  	s20 =	sor.u32 $0x1C04, s20;
	[bflag:$0x0] =	sbarrier.arrive $0xFFFF;
	(pc) =	sbr.rel @p0 .LBB2_1-.Ltmp3, $4  }
0xa3: {  	[hbm:s8], [sflag:s20] =	dma.local [spmem:s21], $0x50  }
0xa4: {  	_ =	swait.ge [sflag:s12], $0x50  }
0xa5: {  	[sflag:s12] =	ssyncset.done $0x0  }
0xa6: {  	[sflag:s12] =	ssyncadd.s32 $0xFFFFFFB0  }
0xa7: {  	_ =	sfence.sel $0x180000  }
0xa8: {  	[bflag:$0x0] =	sbarrier.arrive $0xFFFF  }
0xa9: {  	p0 =	sne.s32 s0, $0x0;
	_ =	strace $0x90000047  }
0xaa: {  	s0 =	sadd.s32 @!p0 $0x100000, s1;
	[bflag:$0x2] =	sbarrier.arrive $0xFFFF  }
0xab: {  	[sflag:s0] =	ssyncadd.tile.s32 @!p0 $0x1;
	_ =	shalt  }
.Lfunc_end2:
_tile_overlayer_lowered:
.L_overlay_start_2:
0xac: {  	(tag) =	ssettag $0x2  }
0xad: {  	s0 =	rddreg [dreg:$0x0];
	s2 =	stileid.u32  }
0xae: {  	s1 =	rddreg [dreg:$0x1];
	p0 =	sne.s32 s2, $0x0  }
0xaf: {  	s3 =	rddreg [dreg:$0x2];
	[bflag:$0x3] =	sbarrier.arrive $0xFFFF;
	s2 =	simm.s32 @!p0 $0x1C04  }
0xb0: {  	[timem:s3], [sflag:s2] =	dma.local @!p0 [hbm:s0], s1  }
0xb1: {  	s0 =	simm.s32 @!p0 $0x4  }
0xb2: {  	_ =	swait.ge @!p0 [sflag:s0], s1  }
0xb3: {  	s1 =	ssub.s32 @!p0 $0x0, s1;
	[sflag:s0] =	ssyncset.done @!p0 $0x0  }
0xb4: {  	[sflag:s0] =	ssyncadd.s32 @!p0 s1  }
0xb5: {  	[bflag:$0x3] =	sbarrier.arrive $0xFFFF  }
0xb6: {  	_ =	shalt  }

</sc_bundles>
